<compile_context>
chip_gen: v7x
topology: tpu7x:2x2x1
jax: 0.10.2.dev20260603
libtpu: 0.0.44.dev20260713+nightly
codegen_flags: <defaults>
</compile_context>

<pallas_src>
import functools

import jax
import jax.numpy as jnp
from jax import lax
from jax.experimental import pallas as pl
from jax.experimental.pallas import tpu as pltpu
from jax.experimental.pallas import tpu_sc as plsc

B, S, D, V = 4096, 200, 64, 256
ROWS = B * S

_info = plsc.get_sparse_core_info()
NC, NS = _info.num_cores, _info.num_subcores
NW = NC * NS
ROWS_PER_W = ROWS // NW
CHUNK = 128
NCHUNK = ROWS_PER_W // CHUNK
NBUF = 5
NGROUP = NCHUNK // NBUF


GBLK = ROWS // CHUNK // (S // 8)


def _prep_body(pos_ref, val_ref, inp_ref, f_ref, g_ref):
    i = pl.program_id(0)
    f = pos_ref[...][:, None, :] + val_ref[...][None, :, :]
    f_ref[...] = f.reshape(f_ref.shape)
    i0 = lax.broadcasted_iota(jnp.int32, g_ref.shape, 0)
    i1 = lax.broadcasted_iota(jnp.int32, g_ref.shape, 1)
    s = lax.rem((i * GBLK + i0) * CHUNK + i1, S)
    g_ref[...] = inp_ref[...] + s * V


def _tc_prep(inputs, value_table, pos_table):
    f, g = pl.pallas_call(
        _prep_body,
        grid=(S // 8,),
        in_specs=[
            pl.BlockSpec((8, D), lambda i: (i, 0)),
            pl.BlockSpec((V, D), lambda i: (0, 0)),
            pl.BlockSpec((GBLK, CHUNK), lambda i: (i, 0)),
        ],
        out_specs=[
            pl.BlockSpec((8 * V, D), lambda i: (i, 0)),
            pl.BlockSpec((GBLK, CHUNK), lambda i: (i, 0)),
        ],
        out_shape=[
            jax.ShapeDtypeStruct((S * V, D), jnp.float32),
            jax.ShapeDtypeStruct((ROWS // CHUNK, CHUNK), jnp.int32),
        ],
    )(pos_table, value_table, inputs.reshape(ROWS // CHUNK, CHUNK))
    return f, g


def _sc_gather_body(f_hbm, g_hbm, out_hbm, idx_v, bufs, gsem, osem):
    wid = lax.axis_index("s") * NC + lax.axis_index("c")
    chunk_base = wid * NCHUNK
    pltpu.sync_copy(g_hbm.at[pl.ds(chunk_base, NCHUNK), :], idx_v)

    def out_slice(j):
        return out_hbm.at[pl.ds((chunk_base + j) * CHUNK, CHUNK), :]

    def group(t, carry):
        p = lax.rem(t, 2)
        j0 = t * NBUF

        @pl.when(t >= 2)
        def _():
            for b in range(NBUF):
                pltpu.make_async_copy(
                    bufs.at[p, b], out_slice(j0 - 2 * NBUF + b), osem
                ).wait()

        gds = [
            pltpu.async_copy(
                f_hbm.at[idx_v.at[j0 + b]], bufs.at[p, b], gsem
            )
            for b in range(NBUF)
        ]
        for b in range(NBUF):
            gds[b].wait()
            pltpu.async_copy(bufs.at[p, b], out_slice(j0 + b), osem)
        return carry

    lax.fori_loop(0, NGROUP, group, 0)
    for t in (NGROUP - 2, NGROUP - 1):
        for b in range(NBUF):
            pltpu.make_async_copy(
                bufs.at[t % 2, b], out_slice(t * NBUF + b), osem
            ).wait()


_sc_gather = functools.partial(
    pl.kernel,
    out_type=jax.ShapeDtypeStruct((ROWS, D), jnp.float32),
    mesh=plsc.VectorSubcoreMesh(core_axis_name="c", subcore_axis_name="s"),
    scratch_types=[
        pltpu.VMEM((NCHUNK, CHUNK), jnp.int32),
        pltpu.VMEM((2, NBUF, CHUNK, D), jnp.float32),
        pltpu.SemaphoreType.DMA,
        pltpu.SemaphoreType.DMA,
    ],
    compiler_params=pltpu.CompilerParams(use_tc_tiling_on_sc=False),
)(_sc_gather_body)


@jax.jit
def kernel(inputs, value_table, pos_table):
    f, g = _tc_prep(inputs, value_table, pos_table)
    out = _sc_gather(f, g)
    return out.reshape(B, S, D)

# --- scband reference (transcript-rebuilt; emitter-appended) ---
"""Pipeline reference for scband-byte-encoder-1047972020555 (READ-ONLY COPY).

The authoritative reference and input builder live on the scoring server;
editing this copy changes nothing except your own understanding.
"""

import jax, jax.numpy as jnp
import numpy as np

B, S, D = 4096, 200, 64
VOCAB = 256

def setup_inputs(seed: int = 0) -> dict:
    key = jax.random.key(seed)
    k1, k2, k3 = jax.random.split(key, 3)
    # forward arg: byte ids
    inputs = jax.random.randint(k1, (B, S), 0, VOCAB, dtype=jnp.int32)
    # learned params: byte-value embedding table (256 x D) and positional table (S x D)
    value_table = jax.random.normal(k2, (VOCAB, D), dtype=jnp.float32) * 0.02
    pos_table = jax.random.normal(k3, (S, D), dtype=jnp.float32) * 0.02
    return {"inputs": inputs, "value_table": value_table, "pos_table": pos_table}

def reference(inputs, value_table, pos_table):
    # Divide with patch_dim=-1 -> factor=1, insert=False: identity reshape
    # value embedding: gather rows of the 256-entry byte table
    emb = jnp.take(value_table, inputs, axis=0)  # [B, S, D]
    # PositionalEmbedding(input_axis=-2, output_axis=-1): add learned [S, D] positions
    out = emb + pos_table[None, :, :]
    return out

if __name__ == "__main__":
    import jax
    _d = setup_inputs()
    print(jax.jit(kernel)(*tuple(_d.values())))

</pallas_src>

<mosaic_0001>
#map = affine_map<(d0, d1) -> (0, 0)>
module attributes {stable_mosaic.version = 14 : i64} {
  func.func @_sc_gather_body(%arg0: i32, %arg1: i32, %arg2: memref<51200x64xf32, #tpu.memory_space<hbm>>, %arg3: memref<6400x128xi32, #tpu.memory_space<hbm>>, %arg4: memref<819200x64xf32, #tpu.memory_space<hbm>>, %arg5: memref<200x128xi32, #tpu.memory_space<vmem>>, %arg6: memref<2x5x128x64xf32, #tpu.memory_space<vmem>>, %arg7: memref<!tpu.dma_semaphore, #tpu.memory_space<semaphore_mem>>, %arg8: memref<!tpu.dma_semaphore, #tpu.memory_space<semaphore_mem>>) attributes {dimension_semantics = [#tpu.dimension_semantics<core_parallel>, #tpu.dimension_semantics<subcore_parallel>], iteration_bounds = array<i64: 2, 16>, scalar_prefetch = 0 : i64, scratch_operands = 4 : i64, tpu.core_type = #tpu.core_type<sc_vector_subcore>, window_params = [{transform_indices = #map}, {transform_indices = #map}, {transform_indices = #map}]} {
    %mul3A = arith.constant 2 : i32
    %mul3A_0 = arith.muli %arg1, %mul3A : i32
    %add3A = arith.addi %mul3A_0, %arg0 : i32
    %mul3A_1 = arith.constant 200 : i32
    %mul3A_2 = arith.muli %add3A, %mul3A_1 : i32
    "tpu.region"() ({
      %run_scoped3A = tpu.sem_alloc : memref<!tpu.dma_semaphore, #tpu.memory_space<semaphore_mem>>
      %dma_start3A = arith.constant 0 : i32
      %dma_start3A_187 = tpu.memref_slice %arg3[%mul3A_2, %dma_start3A] : memref<6400x128xi32, #tpu.memory_space<hbm>> -> memref<200x128xi32, #tpu.memory_space<hbm>>
      %dma_start3A_188 = arith.constant 0 : i32
      %dma_start3A_189 = tpu.memref_slice %arg3[%mul3A_2, %dma_start3A_188] : memref<6400x128xi32, #tpu.memory_space<hbm>> -> memref<200x128xi32, #tpu.memory_space<hbm>>
      tpu.enqueue_dma source(%dma_start3A_189 : memref<200x128xi32, #tpu.memory_space<hbm>>) target(%arg5 : memref<200x128xi32, #tpu.memory_space<vmem>>) target_semaphore(%run_scoped3A : memref<!tpu.dma_semaphore, #tpu.memory_space<semaphore_mem>>)
      %dma_wait3A_190 = arith.constant 0 : i32
      %dma_wait3A_191 = tpu.memref_slice %arg3[%mul3A_2, %dma_wait3A_190] : memref<6400x128xi32, #tpu.memory_space<hbm>> -> memref<200x128xi32, #tpu.memory_space<hbm>>
      %dma_wait3A_192 = arith.constant 0 : i32
      %dma_wait3A_193 = tpu.memref_slice %arg3[%mul3A_2, %dma_wait3A_192] : memref<6400x128xi32, #tpu.memory_space<hbm>> -> memref<200x128xi32, #tpu.memory_space<hbm>>
      tpu.wait_dma2 semaphore(%run_scoped3A : memref<!tpu.dma_semaphore, #tpu.memory_space<semaphore_mem>>) src(%dma_wait3A_193 : memref<200x128xi32, #tpu.memory_space<hbm>>) dst(%arg5 : memref<200x128xi32, #tpu.memory_space<vmem>>)
      tpu.yield
    }) : () -> ()
    %scan3A = arith.constant 0 : i32
    %scan3A_3 = arith.constant 0 : i32
    %scan3A_4 = arith.constant 40 : i32
    %scan3A_5 = arith.addi %scan3A_3, %scan3A_4 : i32
    %scan3A_6 = arith.constant 1 : i32
    scf.for %scan3A_187 = %scan3A_3 to %scan3A_5 step %scan3A_6  : i32 {
      %rem3A = arith.constant 2 : i32
      %rem3A_188 = arith.remsi %scan3A_187, %rem3A : i32
      %mul3A_189 = arith.constant 5 : i32
      %mul3A_190 = arith.muli %scan3A_187, %mul3A_189 : i32
      %ge3A = arith.constant 2 : i32
      %ge3A_191 = arith.cmpi sge, %scan3A_187, %ge3A : i32
      %convert_element_type3A = arith.extui %ge3A_191 : i1 to i32
      %cond3A = arith.constant 0 : i32
      %cond3A_192 = arith.cmpi ne, %convert_element_type3A, %cond3A : i32
      scf.if %cond3A_192 {
        %sub3A = arith.constant 10 : i32
        %sub3A_402 = arith.subi %mul3A_190, %sub3A : i32
        %add3A_403 = arith.constant 0 : i32
        %add3A_404 = arith.addi %sub3A_402, %add3A_403 : i32
        %add3A_405 = arith.addi %mul3A_2, %add3A_404 : i32
        %mul3A_406 = arith.constant 128 : i32
        %mul3A_407 = arith.muli %add3A_405, %mul3A_406 : i32
        %dma_wait3A_408 = arith.constant 0 : i32
        %dma_wait3A_409 = arith.constant 0 : i32
        %dma_wait3A_410 = arith.constant 0 : i32
        %dma_wait3A_411 = tpu.memref_slice %arg6[%rem3A_188, %dma_wait3A_408, %dma_wait3A_409, %dma_wait3A_410] : memref<2x5x128x64xf32, #tpu.memory_space<vmem>> -> memref<1x1x128x64xf32, #tpu.memory_space<vmem>>
        %dma_wait3A_412 = tpu.memref_squeeze %dma_wait3A_411 : memref<1x1x128x64xf32, #tpu.memory_space<vmem>> -> memref<128x64xf32, #tpu.memory_space<vmem>>
        %dma_wait3A_413 = arith.constant 0 : i32
        %dma_wait3A_414 = tpu.memref_slice %arg4[%mul3A_407, %dma_wait3A_413] : memref<819200x64xf32, #tpu.memory_space<hbm>> -> memref<128x64xf32, #tpu.memory_space<hbm>>
        %dma_wait3A_415 = arith.constant 0 : i32
        %dma_wait3A_416 = tpu.memref_slice %arg4[%mul3A_407, %dma_wait3A_415] : memref<819200x64xf32, #tpu.memory_space<hbm>> -> memref<128x64xf32, #tpu.memory_space<hbm>>
        %dma_wait3A_417 = arith.constant 0 : i32
        %dma_wait3A_418 = arith.constant 0 : i32
        %dma_wait3A_419 = tpu.memref_slice %arg6[%rem3A_188, %dma_wait3A_408, %dma_wait3A_417, %dma_wait3A_418] : memref<2x5x128x64xf32, #tpu.memory_space<vmem>> -> memref<1x1x128x64xf32, #tpu.memory_space<vmem>>
        %dma_wait3A_420 = tpu.memref_squeeze %dma_wait3A_419 : memref<1x1x128x64xf32, #tpu.memory_space<vmem>> -> memref<128x64xf32, #tpu.memory_space<vmem>>
        tpu.wait_dma2 semaphore(%arg8 : memref<!tpu.dma_semaphore, #tpu.memory_space<semaphore_mem>>) src(%dma_wait3A_420 : memref<128x64xf32, #tpu.memory_space<vmem>>) dst(%dma_wait3A_416 : memref<128x64xf32, #tpu.memory_space<hbm>>)
        %sub3A_421 = arith.constant 10 : i32
        %sub3A_422 = arith.subi %mul3A_190, %sub3A_421 : i32
        %add3A_423 = arith.constant 1 : i32
        %add3A_424 = arith.addi %sub3A_422, %add3A_423 : i32
        %add3A_425 = arith.addi %mul3A_2, %add3A_424 : i32
        %mul3A_426 = arith.constant 128 : i32
        %mul3A_427 = arith.muli %add3A_425, %mul3A_426 : i32
        %dma_wait3A_428 = arith.constant 1 : i32
        %dma_wait3A_429 = arith.constant 0 : i32
        %dma_wait3A_430 = arith.constant 0 : i32
        %dma_wait3A_431 = tpu.memref_slice %arg6[%rem3A_188, %dma_wait3A_428, %dma_wait3A_429, %dma_wait3A_430] : memref<2x5x128x64xf32, #tpu.memory_space<vmem>> -> memref<1x1x128x64xf32, #tpu.memory_space<vmem>>
        %dma_wait3A_432 = tpu.memref_squeeze %dma_wait3A_431 : memref<1x1x128x64xf32, #tpu.memory_space<vmem>> -> memref<128x64xf32, #tpu.memory_space<vmem>>
        %dma_wait3A_433 = arith.constant 0 : i32
        %dma_wait3A_434 = tpu.memref_slice %arg4[%mul3A_427, %dma_wait3A_433] : memref<819200x64xf32, #tpu.memory_space<hbm>> -> memref<128x64xf32, #tpu.memory_space<hbm>>
        %dma_wait3A_435 = arith.constant 0 : i32
        %dma_wait3A_436 = tpu.memref_slice %arg4[%mul3A_427, %dma_wait3A_435] : memref<819200x64xf32, #tpu.memory_space<hbm>> -> memref<128x64xf32, #tpu.memory_space<hbm>>
        %dma_wait3A_437 = arith.constant 0 : i32
        %dma_wait3A_438 = arith.constant 0 : i32
        %dma_wait3A_439 = tpu.memref_slice %arg6[%rem3A_188, %dma_wait3A_428, %dma_wait3A_437, %dma_wait3A_438] : memref<2x5x128x64xf32, #tpu.memory_space<vmem>> -> memref<1x1x128x64xf32, #tpu.memory_space<vmem>>
        %dma_wait3A_440 = tpu.memref_squeeze %dma_wait3A_439 : memref<1x1x128x64xf32, #tpu.memory_space<vmem>> -> memref<128x64xf32, #tpu.memory_space<vmem>>
        tpu.wait_dma2 semaphore(%arg8 : memref<!tpu.dma_semaphore, #tpu.memory_space<semaphore_mem>>) src(%dma_wait3A_440 : memref<128x64xf32, #tpu.memory_space<vmem>>) dst(%dma_wait3A_436 : memref<128x64xf32, #tpu.memory_space<hbm>>)
        %sub3A_441 = arith.constant 10 : i32
        %sub3A_442 = arith.subi %mul3A_190, %sub3A_441 : i32
        %add3A_443 = arith.constant 2 : i32
        %add3A_444 = arith.addi %sub3A_442, %add3A_443 : i32
        %add3A_445 = arith.addi %mul3A_2, %add3A_444 : i32
        %mul3A_446 = arith.constant 128 : i32
        %mul3A_447 = arith.muli %add3A_445, %mul3A_446 : i32
        %dma_wait3A_448 = arith.constant 2 : i32
        %dma_wait3A_449 = arith.constant 0 : i32
        %dma_wait3A_450 = arith.constant 0 : i32
        %dma_wait3A_451 = tpu.memref_slice %arg6[%rem3A_188, %dma_wait3A_448, %dma_wait3A_449, %dma_wait3A_450] : memref<2x5x128x64xf32, #tpu.memory_space<vmem>> -> memref<1x1x128x64xf32, #tpu.memory_space<vmem>>
        %dma_wait3A_452 = tpu.memref_squeeze %dma_wait3A_451 : memref<1x1x128x64xf32, #tpu.memory_space<vmem>> -> memref<128x64xf32, #tpu.memory_space<vmem>>
        %dma_wait3A_453 = arith.constant 0 : i32
        %dma_wait3A_454 = tpu.memref_slice %arg4[%mul3A_447, %dma_wait3A_453] : memref<819200x64xf32, #tpu.memory_space<hbm>> -> memref<128x64xf32, #tpu.memory_space<hbm>>
        %dma_wait3A_455 = arith.constant 0 : i32
        %dma_wait3A_456 = tpu.memref_slice %arg4[%mul3A_447, %dma_wait3A_455] : memref<819200x64xf32, #tpu.memory_space<hbm>> -> memref<128x64xf32, #tpu.memory_space<hbm>>
        %dma_wait3A_457 = arith.constant 0 : i32
        %dma_wait3A_458 = arith.constant 0 : i32
        %dma_wait3A_459 = tpu.memref_slice %arg6[%rem3A_188, %dma_wait3A_448, %dma_wait3A_457, %dma_wait3A_458] : memref<2x5x128x64xf32, #tpu.memory_space<vmem>> -> memref<1x1x128x64xf32, #tpu.memory_space<vmem>>
        %dma_wait3A_460 = tpu.memref_squeeze %dma_wait3A_459 : memref<1x1x128x64xf32, #tpu.memory_space<vmem>> -> memref<128x64xf32, #tpu.memory_space<vmem>>
        tpu.wait_dma2 semaphore(%arg8 : memref<!tpu.dma_semaphore, #tpu.memory_space<semaphore_mem>>) src(%dma_wait3A_460 : memref<128x64xf32, #tpu.memory_space<vmem>>) dst(%dma_wait3A_456 : memref<128x64xf32, #tpu.memory_space<hbm>>)
        %sub3A_461 = arith.constant 10 : i32
        %sub3A_462 = arith.subi %mul3A_190, %sub3A_461 : i32
        %add3A_463 = arith.constant 3 : i32
        %add3A_464 = arith.addi %sub3A_462, %add3A_463 : i32
        %add3A_465 = arith.addi %mul3A_2, %add3A_464 : i32
        %mul3A_466 = arith.constant 128 : i32
        %mul3A_467 = arith.muli %add3A_465, %mul3A_466 : i32
        %dma_wait3A_468 = arith.constant 3 : i32
        %dma_wait3A_469 = arith.constant 0 : i32
        %dma_wait3A_470 = arith.constant 0 : i32
        %dma_wait3A_471 = tpu.memref_slice %arg6[%rem3A_188, %dma_wait3A_468, %dma_wait3A_469, %dma_wait3A_470] : memref<2x5x128x64xf32, #tpu.memory_space<vmem>> -> memref<1x1x128x64xf32, #tpu.memory_space<vmem>>
        %dma_wait3A_472 = tpu.memref_squeeze %dma_wait3A_471 : memref<1x1x128x64xf32, #tpu.memory_space<vmem>> -> memref<128x64xf32, #tpu.memory_space<vmem>>
        %dma_wait3A_473 = arith.constant 0 : i32
        %dma_wait3A_474 = tpu.memref_slice %arg4[%mul3A_467, %dma_wait3A_473] : memref<819200x64xf32, #tpu.memory_space<hbm>> -> memref<128x64xf32, #tpu.memory_space<hbm>>
        %dma_wait3A_475 = arith.constant 0 : i32
        %dma_wait3A_476 = tpu.memref_slice %arg4[%mul3A_467, %dma_wait3A_475] : memref<819200x64xf32, #tpu.memory_space<hbm>> -> memref<128x64xf32, #tpu.memory_space<hbm>>
        %dma_wait3A_477 = arith.constant 0 : i32
        %dma_wait3A_478 = arith.constant 0 : i32
        %dma_wait3A_479 = tpu.memref_slice %arg6[%rem3A_188, %dma_wait3A_468, %dma_wait3A_477, %dma_wait3A_478] : memref<2x5x128x64xf32, #tpu.memory_space<vmem>> -> memref<1x1x128x64xf32, #tpu.memory_space<vmem>>
        %dma_wait3A_480 = tpu.memref_squeeze %dma_wait3A_479 : memref<1x1x128x64xf32, #tpu.memory_space<vmem>> -> memref<128x64xf32, #tpu.memory_space<vmem>>
        tpu.wait_dma2 semaphore(%arg8 : memref<!tpu.dma_semaphore, #tpu.memory_space<semaphore_mem>>) src(%dma_wait3A_480 : memref<128x64xf32, #tpu.memory_space<vmem>>) dst(%dma_wait3A_476 : memref<128x64xf32, #tpu.memory_space<hbm>>)
        %sub3A_481 = arith.constant 10 : i32
        %sub3A_482 = arith.subi %mul3A_190, %sub3A_481 : i32
        %add3A_483 = arith.constant 4 : i32
        %add3A_484 = arith.addi %sub3A_482, %add3A_483 : i32
        %add3A_485 = arith.addi %mul3A_2, %add3A_484 : i32
        %mul3A_486 = arith.constant 128 : i32
        %mul3A_487 = arith.muli %add3A_485, %mul3A_486 : i32
        %dma_wait3A_488 = arith.constant 4 : i32
        %dma_wait3A_489 = arith.constant 0 : i32
        %dma_wait3A_490 = arith.constant 0 : i32
        %dma_wait3A_491 = tpu.memref_slice %arg6[%rem3A_188, %dma_wait3A_488, %dma_wait3A_489, %dma_wait3A_490] : memref<2x5x128x64xf32, #tpu.memory_space<vmem>> -> memref<1x1x128x64xf32, #tpu.memory_space<vmem>>
        %dma_wait3A_492 = tpu.memref_squeeze %dma_wait3A_491 : memref<1x1x128x64xf32, #tpu.memory_space<vmem>> -> memref<128x64xf32, #tpu.memory_space<vmem>>
        %dma_wait3A_493 = arith.constant 0 : i32
        %dma_wait3A_494 = tpu.memref_slice %arg4[%mul3A_487, %dma_wait3A_493] : memref<819200x64xf32, #tpu.memory_space<hbm>> -> memref<128x64xf32, #tpu.memory_space<hbm>>
        %dma_wait3A_495 = arith.constant 0 : i32
        %dma_wait3A_496 = tpu.memref_slice %arg4[%mul3A_487, %dma_wait3A_495] : memref<819200x64xf32, #tpu.memory_space<hbm>> -> memref<128x64xf32, #tpu.memory_space<hbm>>
        %dma_wait3A_497 = arith.constant 0 : i32
        %dma_wait3A_498 = arith.constant 0 : i32
        %dma_wait3A_499 = tpu.memref_slice %arg6[%rem3A_188, %dma_wait3A_488, %dma_wait3A_497, %dma_wait3A_498] : memref<2x5x128x64xf32, #tpu.memory_space<vmem>> -> memref<1x1x128x64xf32, #tpu.memory_space<vmem>>
        %dma_wait3A_500 = tpu.memref_squeeze %dma_wait3A_499 : memref<1x1x128x64xf32, #tpu.memory_space<vmem>> -> memref<128x64xf32, #tpu.memory_space<vmem>>
        tpu.wait_dma2 semaphore(%arg8 : memref<!tpu.dma_semaphore, #tpu.memory_space<semaphore_mem>>) src(%dma_wait3A_500 : memref<128x64xf32, #tpu.memory_space<vmem>>) dst(%dma_wait3A_496 : memref<128x64xf32, #tpu.memory_space<hbm>>)
      } else {
      }
      %add3A_193 = arith.constant 0 : i32
      %add3A_194 = arith.addi %mul3A_190, %add3A_193 : i32
      %dma_start3A = arith.constant 0 : i32
      %dma_start3A_195 = arith.constant 0 : i32
      %dma_start3A_196 = arith.constant 0 : i32
      %dma_start3A_197 = tpu.memref_slice %arg6[%rem3A_188, %dma_start3A, %dma_start3A_195, %dma_start3A_196] : memref<2x5x128x64xf32, #tpu.memory_space<vmem>> -> memref<1x1x128x64xf32, #tpu.memory_space<vmem>>
      %dma_start3A_198 = tpu.memref_squeeze %dma_start3A_197 : memref<1x1x128x64xf32, #tpu.memory_space<vmem>> -> memref<128x64xf32, #tpu.memory_space<vmem>>
      %dma_start3A_199 = arith.constant 0 : i32
      %dma_start3A_200 = tpu.memref_slice %arg5[%add3A_194, %dma_start3A_199] : memref<200x128xi32, #tpu.memory_space<vmem>> -> memref<1x128xi32, #tpu.memory_space<vmem>>
      %dma_start3A_201 = tpu.memref_squeeze %dma_start3A_200 : memref<1x128xi32, #tpu.memory_space<vmem>> -> memref<128xi32, #tpu.memory_space<vmem>>
      %dma_start3A_202 = arith.constant 0 : i32
      %dma_start3A_203 = arith.constant 0 : i32
      %dma_start3A_204 = tpu.memref_slice %arg2[%dma_start3A_202, %dma_start3A_203] : memref<51200x64xf32, #tpu.memory_space<hbm>> -> memref<51200x64xf32, #tpu.memory_space<hbm>>
      tpu.enqueue_indirect_dma source(%dma_start3A_204 : memref<51200x64xf32, #tpu.memory_space<hbm>>) target(%dma_start3A_198 : memref<128x64xf32, #tpu.memory_space<vmem>>) offsets(%dma_start3A_201 : memref<128xi32, #tpu.memory_space<vmem>>) semaphore(%arg7 : memref<!tpu.dma_semaphore, #tpu.memory_space<semaphore_mem>>)
      %add3A_205 = arith.constant 1 : i32
      %add3A_206 = arith.addi %mul3A_190, %add3A_205 : i32
      %dma_start3A_207 = arith.constant 1 : i32
      %dma_start3A_208 = arith.constant 0 : i32
      %dma_start3A_209 = arith.constant 0 : i32
      %dma_start3A_210 = tpu.memref_slice %arg6[%rem3A_188, %dma_start3A_207, %dma_start3A_208, %dma_start3A_209] : memref<2x5x128x64xf32, #tpu.memory_space<vmem>> -> memref<1x1x128x64xf32, #tpu.memory_space<vmem>>
      %dma_start3A_211 = tpu.memref_squeeze %dma_start3A_210 : memref<1x1x128x64xf32, #tpu.memory_space<vmem>> -> memref<128x64xf32, #tpu.memory_space<vmem>>
      %dma_start3A_212 = arith.constant 0 : i32
      %dma_start3A_213 = tpu.memref_slice %arg5[%add3A_206, %dma_start3A_212] : memref<200x128xi32, #tpu.memory_space<vmem>> -> memref<1x128xi32, #tpu.memory_space<vmem>>
      %dma_start3A_214 = tpu.memref_squeeze %dma_start3A_213 : memref<1x128xi32, #tpu.memory_space<vmem>> -> memref<128xi32, #tpu.memory_space<vmem>>
      %dma_start3A_215 = arith.constant 0 : i32
      %dma_start3A_216 = arith.constant 0 : i32
      %dma_start3A_217 = tpu.memref_slice %arg2[%dma_start3A_215, %dma_start3A_216] : memref<51200x64xf32, #tpu.memory_space<hbm>> -> memref<51200x64xf32, #tpu.memory_space<hbm>>
      tpu.enqueue_indirect_dma source(%dma_start3A_217 : memref<51200x64xf32, #tpu.memory_space<hbm>>) target(%dma_start3A_211 : memref<128x64xf32, #tpu.memory_space<vmem>>) offsets(%dma_start3A_214 : memref<128xi32, #tpu.memory_space<vmem>>) semaphore(%arg7 : memref<!tpu.dma_semaphore, #tpu.memory_space<semaphore_mem>>)
      %add3A_218 = arith.constant 2 : i32
      %add3A_219 = arith.addi %mul3A_190, %add3A_218 : i32
      %dma_start3A_220 = arith.constant 2 : i32
      %dma_start3A_221 = arith.constant 0 : i32
      %dma_start3A_222 = arith.constant 0 : i32
      %dma_start3A_223 = tpu.memref_slice %arg6[%rem3A_188, %dma_start3A_220, %dma_start3A_221, %dma_start3A_222] : memref<2x5x128x64xf32, #tpu.memory_space<vmem>> -> memref<1x1x128x64xf32, #tpu.memory_space<vmem>>
      %dma_start3A_224 = tpu.memref_squeeze %dma_start3A_223 : memref<1x1x128x64xf32, #tpu.memory_space<vmem>> -> memref<128x64xf32, #tpu.memory_space<vmem>>
      %dma_start3A_225 = arith.constant 0 : i32
      %dma_start3A_226 = tpu.memref_slice %arg5[%add3A_219, %dma_start3A_225] : memref<200x128xi32, #tpu.memory_space<vmem>> -> memref<1x128xi32, #tpu.memory_space<vmem>>
      %dma_start3A_227 = tpu.memref_squeeze %dma_start3A_226 : memref<1x128xi32, #tpu.memory_space<vmem>> -> memref<128xi32, #tpu.memory_space<vmem>>
      %dma_start3A_228 = arith.constant 0 : i32
      %dma_start3A_229 = arith.constant 0 : i32
      %dma_start3A_230 = tpu.memref_slice %arg2[%dma_start3A_228, %dma_start3A_229] : memref<51200x64xf32, #tpu.memory_space<hbm>> -> memref<51200x64xf32, #tpu.memory_space<hbm>>
      tpu.enqueue_indirect_dma source(%dma_start3A_230 : memref<51200x64xf32, #tpu.memory_space<hbm>>) target(%dma_start3A_224 : memref<128x64xf32, #tpu.memory_space<vmem>>) offsets(%dma_start3A_227 : memref<128xi32, #tpu.memory_space<vmem>>) semaphore(%arg7 : memref<!tpu.dma_semaphore, #tpu.memory_space<semaphore_mem>>)
      %add3A_231 = arith.constant 3 : i32
      %add3A_232 = arith.addi %mul3A_190, %add3A_231 : i32
      %dma_start3A_233 = arith.constant 3 : i32
      %dma_start3A_234 = arith.constant 0 : i32
      %dma_start3A_235 = arith.constant 0 : i32
      %dma_start3A_236 = tpu.memref_slice %arg6[%rem3A_188, %dma_start3A_233, %dma_start3A_234, %dma_start3A_235] : memref<2x5x128x64xf32, #tpu.memory_space<vmem>> -> memref<1x1x128x64xf32, #tpu.memory_space<vmem>>
      %dma_start3A_237 = tpu.memref_squeeze %dma_start3A_236 : memref<1x1x128x64xf32, #tpu.memory_space<vmem>> -> memref<128x64xf32, #tpu.memory_space<vmem>>
      %dma_start3A_238 = arith.constant 0 : i32
      %dma_start3A_239 = tpu.memref_slice %arg5[%add3A_232, %dma_start3A_238] : memref<200x128xi32, #tpu.memory_space<vmem>> -> memref<1x128xi32, #tpu.memory_space<vmem>>
      %dma_start3A_240 = tpu.memref_squeeze %dma_start3A_239 : memref<1x128xi32, #tpu.memory_space<vmem>> -> memref<128xi32, #tpu.memory_space<vmem>>
      %dma_start3A_241 = arith.constant 0 : i32
      %dma_start3A_242 = arith.constant 0 : i32
      %dma_start3A_243 = tpu.memref_slice %arg2[%dma_start3A_241, %dma_start3A_242] : memref<51200x64xf32, #tpu.memory_space<hbm>> -> memref<51200x64xf32, #tpu.memory_space<hbm>>
      tpu.enqueue_indirect_dma source(%dma_start3A_243 : memref<51200x64xf32, #tpu.memory_space<hbm>>) target(%dma_start3A_237 : memref<128x64xf32, #tpu.memory_space<vmem>>) offsets(%dma_start3A_240 : memref<128xi32, #tpu.memory_space<vmem>>) semaphore(%arg7 : memref<!tpu.dma_semaphore, #tpu.memory_space<semaphore_mem>>)
      %add3A_244 = arith.constant 4 : i32
      %add3A_245 = arith.addi %mul3A_190, %add3A_244 : i32
      %dma_start3A_246 = arith.constant 4 : i32
      %dma_start3A_247 = arith.constant 0 : i32
      %dma_start3A_248 = arith.constant 0 : i32
      %dma_start3A_249 = tpu.memref_slice %arg6[%rem3A_188, %dma_start3A_246, %dma_start3A_247, %dma_start3A_248] : memref<2x5x128x64xf32, #tpu.memory_space<vmem>> -> memref<1x1x128x64xf32, #tpu.memory_space<vmem>>
      %dma_start3A_250 = tpu.memref_squeeze %dma_start3A_249 : memref<1x1x128x64xf32, #tpu.memory_space<vmem>> -> memref<128x64xf32, #tpu.memory_space<vmem>>
      %dma_start3A_251 = arith.constant 0 : i32
      %dma_start3A_252 = tpu.memref_slice %arg5[%add3A_245, %dma_start3A_251] : memref<200x128xi32, #tpu.memory_space<vmem>> -> memref<1x128xi32, #tpu.memory_space<vmem>>
      %dma_start3A_253 = tpu.memref_squeeze %dma_start3A_252 : memref<1x128xi32, #tpu.memory_space<vmem>> -> memref<128xi32, #tpu.memory_space<vmem>>
      %dma_start3A_254 = arith.constant 0 : i32
      %dma_start3A_255 = arith.constant 0 : i32
      %dma_start3A_256 = tpu.memref_slice %arg2[%dma_start3A_254, %dma_start3A_255] : memref<51200x64xf32, #tpu.memory_space<hbm>> -> memref<51200x64xf32, #tpu.memory_space<hbm>>
      tpu.enqueue_indirect_dma source(%dma_start3A_256 : memref<51200x64xf32, #tpu.memory_space<hbm>>) target(%dma_start3A_250 : memref<128x64xf32, #tpu.memory_space<vmem>>) offsets(%dma_start3A_253 : memref<128xi32, #tpu.memory_space<vmem>>) semaphore(%arg7 : memref<!tpu.dma_semaphore, #tpu.memory_space<semaphore_mem>>)
      %dma_wait3A_257 = arith.constant 0 : i32
      %dma_wait3A_258 = arith.constant 0 : i32
      %dma_wait3A_259 = arith.constant 0 : i32
      %dma_wait3A_260 = tpu.memref_slice %arg6[%rem3A_188, %dma_wait3A_257, %dma_wait3A_258, %dma_wait3A_259] : memref<2x5x128x64xf32, #tpu.memory_space<vmem>> -> memref<1x1x128x64xf32, #tpu.memory_space<vmem>>
      %dma_wait3A_261 = tpu.memref_squeeze %dma_wait3A_260 : memref<1x1x128x64xf32, #tpu.memory_space<vmem>> -> memref<128x64xf32, #tpu.memory_space<vmem>>
      %dma_wait3A_262 = arith.constant 0 : i32
      %dma_wait3A_263 = tpu.memref_slice %arg5[%add3A_194, %dma_wait3A_262] : memref<200x128xi32, #tpu.memory_space<vmem>> -> memref<1x128xi32, #tpu.memory_space<vmem>>
      %dma_wait3A_264 = tpu.memref_squeeze %dma_wait3A_263 : memref<1x128xi32, #tpu.memory_space<vmem>> -> memref<128xi32, #tpu.memory_space<vmem>>
      %dma_wait3A_265 = arith.constant 0 : i32
      %dma_wait3A_266 = arith.constant 0 : i32
      %dma_wait3A_267 = tpu.memref_slice %arg2[%dma_wait3A_265, %dma_wait3A_266] : memref<51200x64xf32, #tpu.memory_space<hbm>> -> memref<51200x64xf32, #tpu.memory_space<hbm>>
      tpu.wait_indirect_dma semaphore(%arg7 : memref<!tpu.dma_semaphore, #tpu.memory_space<semaphore_mem>>) src(%dma_wait3A_267 : memref<51200x64xf32, #tpu.memory_space<hbm>>) dst(%dma_wait3A_261 : memref<128x64xf32, #tpu.memory_space<vmem>>)
      %add3A_268 = arith.constant 0 : i32
      %add3A_269 = arith.addi %mul3A_190, %add3A_268 : i32
      %add3A_270 = arith.addi %mul3A_2, %add3A_269 : i32
      %mul3A_271 = arith.constant 128 : i32
      %mul3A_272 = arith.muli %add3A_270, %mul3A_271 : i32
      %dma_start3A_273 = arith.constant 0 : i32
      %dma_start3A_274 = arith.constant 0 : i32
      %dma_start3A_275 = arith.constant 0 : i32
      %dma_start3A_276 = tpu.memref_slice %arg6[%rem3A_188, %dma_start3A_273, %dma_start3A_274, %dma_start3A_275] : memref<2x5x128x64xf32, #tpu.memory_space<vmem>> -> memref<1x1x128x64xf32, #tpu.memory_space<vmem>>
      %dma_start3A_277 = tpu.memref_squeeze %dma_start3A_276 : memref<1x1x128x64xf32, #tpu.memory_space<vmem>> -> memref<128x64xf32, #tpu.memory_space<vmem>>
      %dma_start3A_278 = arith.constant 0 : i32
      %dma_start3A_279 = tpu.memref_slice %arg4[%mul3A_272, %dma_start3A_278] : memref<819200x64xf32, #tpu.memory_space<hbm>> -> memref<128x64xf32, #tpu.memory_space<hbm>>
      %dma_start3A_280 = arith.constant 0 : i32
      %dma_start3A_281 = tpu.memref_slice %arg4[%mul3A_272, %dma_start3A_280] : memref<819200x64xf32, #tpu.memory_space<hbm>> -> memref<128x64xf32, #tpu.memory_space<hbm>>
      %dma_start3A_282 = arith.constant 0 : i32
      %dma_start3A_283 = arith.constant 0 : i32
      %dma_start3A_284 = tpu.memref_slice %arg6[%rem3A_188, %dma_start3A_273, %dma_start3A_282, %dma_start3A_283] : memref<2x5x128x64xf32, #tpu.memory_space<vmem>> -> memref<1x1x128x64xf32, #tpu.memory_space<vmem>>
      %dma_start3A_285 = tpu.memref_squeeze %dma_start3A_284 : memref<1x1x128x64xf32, #tpu.memory_space<vmem>> -> memref<128x64xf32, #tpu.memory_space<vmem>>
      tpu.enqueue_dma source(%dma_start3A_285 : memref<128x64xf32, #tpu.memory_space<vmem>>) target(%dma_start3A_281 : memref<128x64xf32, #tpu.memory_space<hbm>>) target_semaphore(%arg8 : memref<!tpu.dma_semaphore, #tpu.memory_space<semaphore_mem>>)
      %dma_wait3A_286 = arith.constant 1 : i32
      %dma_wait3A_287 = arith.constant 0 : i32
      %dma_wait3A_288 = arith.constant 0 : i32
      %dma_wait3A_289 = tpu.memref_slice %arg6[%rem3A_188, %dma_wait3A_286, %dma_wait3A_287, %dma_wait3A_288] : memref<2x5x128x64xf32, #tpu.memory_space<vmem>> -> memref<1x1x128x64xf32, #tpu.memory_space<vmem>>
      %dma_wait3A_290 = tpu.memref_squeeze %dma_wait3A_289 : memref<1x1x128x64xf32, #tpu.memory_space<vmem>> -> memref<128x64xf32, #tpu.memory_space<vmem>>
      %dma_wait3A_291 = arith.constant 0 : i32
      %dma_wait3A_292 = tpu.memref_slice %arg5[%add3A_206, %dma_wait3A_291] : memref<200x128xi32, #tpu.memory_space<vmem>> -> memref<1x128xi32, #tpu.memory_space<vmem>>
      %dma_wait3A_293 = tpu.memref_squeeze %dma_wait3A_292 : memref<1x128xi32, #tpu.memory_space<vmem>> -> memref<128xi32, #tpu.memory_space<vmem>>
      %dma_wait3A_294 = arith.constant 0 : i32
      %dma_wait3A_295 = arith.constant 0 : i32
      %dma_wait3A_296 = tpu.memref_slice %arg2[%dma_wait3A_294, %dma_wait3A_295] : memref<51200x64xf32, #tpu.memory_space<hbm>> -> memref<51200x64xf32, #tpu.memory_space<hbm>>
      tpu.wait_indirect_dma semaphore(%arg7 : memref<!tpu.dma_semaphore, #tpu.memory_space<semaphore_mem>>) src(%dma_wait3A_296 : memref<51200x64xf32, #tpu.memory_space<hbm>>) dst(%dma_wait3A_290 : memref<128x64xf32, #tpu.memory_space<vmem>>)
      %add3A_297 = arith.constant 1 : i32
      %add3A_298 = arith.addi %mul3A_190, %add3A_297 : i32
      %add3A_299 = arith.addi %mul3A_2, %add3A_298 : i32
      %mul3A_300 = arith.constant 128 : i32
      %mul3A_301 = arith.muli %add3A_299, %mul3A_300 : i32
      %dma_start3A_302 = arith.constant 1 : i32
      %dma_start3A_303 = arith.constant 0 : i32
      %dma_start3A_304 = arith.constant 0 : i32
      %dma_start3A_305 = tpu.memref_slice %arg6[%rem3A_188, %dma_start3A_302, %dma_start3A_303, %dma_start3A_304] : memref<2x5x128x64xf32, #tpu.memory_space<vmem>> -> memref<1x1x128x64xf32, #tpu.memory_space<vmem>>
      %dma_start3A_306 = tpu.memref_squeeze %dma_start3A_305 : memref<1x1x128x64xf32, #tpu.memory_space<vmem>> -> memref<128x64xf32, #tpu.memory_space<vmem>>
      %dma_start3A_307 = arith.constant 0 : i32
      %dma_start3A_308 = tpu.memref_slice %arg4[%mul3A_301, %dma_start3A_307] : memref<819200x64xf32, #tpu.memory_space<hbm>> -> memref<128x64xf32, #tpu.memory_space<hbm>>
      %dma_start3A_309 = arith.constant 0 : i32
      %dma_start3A_310 = tpu.memref_slice %arg4[%mul3A_301, %dma_start3A_309] : memref<819200x64xf32, #tpu.memory_space<hbm>> -> memref<128x64xf32, #tpu.memory_space<hbm>>
      %dma_start3A_311 = arith.constant 0 : i32
      %dma_start3A_312 = arith.constant 0 : i32
      %dma_start3A_313 = tpu.memref_slice %arg6[%rem3A_188, %dma_start3A_302, %dma_start3A_311, %dma_start3A_312] : memref<2x5x128x64xf32, #tpu.memory_space<vmem>> -> memref<1x1x128x64xf32, #tpu.memory_space<vmem>>
      %dma_start3A_314 = tpu.memref_squeeze %dma_start3A_313 : memref<1x1x128x64xf32, #tpu.memory_space<vmem>> -> memref<128x64xf32, #tpu.memory_space<vmem>>
      tpu.enqueue_dma source(%dma_start3A_314 : memref<128x64xf32, #tpu.memory_space<vmem>>) target(%dma_start3A_310 : memref<128x64xf32, #tpu.memory_space<hbm>>) target_semaphore(%arg8 : memref<!tpu.dma_semaphore, #tpu.memory_space<semaphore_mem>>)
      %dma_wait3A_315 = arith.constant 2 : i32
      %dma_wait3A_316 = arith.constant 0 : i32
      %dma_wait3A_317 = arith.constant 0 : i32
      %dma_wait3A_318 = tpu.memref_slice %arg6[%rem3A_188, %dma_wait3A_315, %dma_wait3A_316, %dma_wait3A_317] : memref<2x5x128x64xf32, #tpu.memory_space<vmem>> -> memref<1x1x128x64xf32, #tpu.memory_space<vmem>>
      %dma_wait3A_319 = tpu.memref_squeeze %dma_wait3A_318 : memref<1x1x128x64xf32, #tpu.memory_space<vmem>> -> memref<128x64xf32, #tpu.memory_space<vmem>>
      %dma_wait3A_320 = arith.constant 0 : i32
      %dma_wait3A_321 = tpu.memref_slice %arg5[%add3A_219, %dma_wait3A_320] : memref<200x128xi32, #tpu.memory_space<vmem>> -> memref<1x128xi32, #tpu.memory_space<vmem>>
      %dma_wait3A_322 = tpu.memref_squeeze %dma_wait3A_321 : memref<1x128xi32, #tpu.memory_space<vmem>> -> memref<128xi32, #tpu.memory_space<vmem>>
      %dma_wait3A_323 = arith.constant 0 : i32
      %dma_wait3A_324 = arith.constant 0 : i32
      %dma_wait3A_325 = tpu.memref_slice %arg2[%dma_wait3A_323, %dma_wait3A_324] : memref<51200x64xf32, #tpu.memory_space<hbm>> -> memref<51200x64xf32, #tpu.memory_space<hbm>>
      tpu.wait_indirect_dma semaphore(%arg7 : memref<!tpu.dma_semaphore, #tpu.memory_space<semaphore_mem>>) src(%dma_wait3A_325 : memref<51200x64xf32, #tpu.memory_space<hbm>>) dst(%dma_wait3A_319 : memref<128x64xf32, #tpu.memory_space<vmem>>)
      %add3A_326 = arith.constant 2 : i32
      %add3A_327 = arith.addi %mul3A_190, %add3A_326 : i32
      %add3A_328 = arith.addi %mul3A_2, %add3A_327 : i32
      %mul3A_329 = arith.constant 128 : i32
      %mul3A_330 = arith.muli %add3A_328, %mul3A_329 : i32
      %dma_start3A_331 = arith.constant 2 : i32
      %dma_start3A_332 = arith.constant 0 : i32
      %dma_start3A_333 = arith.constant 0 : i32
      %dma_start3A_334 = tpu.memref_slice %arg6[%rem3A_188, %dma_start3A_331, %dma_start3A_332, %dma_start3A_333] : memref<2x5x128x64xf32, #tpu.memory_space<vmem>> -> memref<1x1x128x64xf32, #tpu.memory_space<vmem>>
      %dma_start3A_335 = tpu.memref_squeeze %dma_start3A_334 : memref<1x1x128x64xf32, #tpu.memory_space<vmem>> -> memref<128x64xf32, #tpu.memory_space<vmem>>
      %dma_start3A_336 = arith.constant 0 : i32
      %dma_start3A_337 = tpu.memref_slice %arg4[%mul3A_330, %dma_start3A_336] : memref<819200x64xf32, #tpu.memory_space<hbm>> -> memref<128x64xf32, #tpu.memory_space<hbm>>
      %dma_start3A_338 = arith.constant 0 : i32
      %dma_start3A_339 = tpu.memref_slice %arg4[%mul3A_330, %dma_start3A_338] : memref<819200x64xf32, #tpu.memory_space<hbm>> -> memref<128x64xf32, #tpu.memory_space<hbm>>
      %dma_start3A_340 = arith.constant 0 : i32
      %dma_start3A_341 = arith.constant 0 : i32
      %dma_start3A_342 = tpu.memref_slice %arg6[%rem3A_188, %dma_start3A_331, %dma_start3A_340, %dma_start3A_341] : memref<2x5x128x64xf32, #tpu.memory_space<vmem>> -> memref<1x1x128x64xf32, #tpu.memory_space<vmem>>
      %dma_start3A_343 = tpu.memref_squeeze %dma_start3A_342 : memref<1x1x128x64xf32, #tpu.memory_space<vmem>> -> memref<128x64xf32, #tpu.memory_space<vmem>>
      tpu.enqueue_dma source(%dma_start3A_343 : memref<128x64xf32, #tpu.memory_space<vmem>>) target(%dma_start3A_339 : memref<128x64xf32, #tpu.memory_space<hbm>>) target_semaphore(%arg8 : memref<!tpu.dma_semaphore, #tpu.memory_space<semaphore_mem>>)
      %dma_wait3A_344 = arith.constant 3 : i32
      %dma_wait3A_345 = arith.constant 0 : i32
      %dma_wait3A_346 = arith.constant 0 : i32
      %dma_wait3A_347 = tpu.memref_slice %arg6[%rem3A_188, %dma_wait3A_344, %dma_wait3A_345, %dma_wait3A_346] : memref<2x5x128x64xf32, #tpu.memory_space<vmem>> -> memref<1x1x128x64xf32, #tpu.memory_space<vmem>>
      %dma_wait3A_348 = tpu.memref_squeeze %dma_wait3A_347 : memref<1x1x128x64xf32, #tpu.memory_space<vmem>> -> memref<128x64xf32, #tpu.memory_space<vmem>>
      %dma_wait3A_349 = arith.constant 0 : i32
      %dma_wait3A_350 = tpu.memref_slice %arg5[%add3A_232, %dma_wait3A_349] : memref<200x128xi32, #tpu.memory_space<vmem>> -> memref<1x128xi32, #tpu.memory_space<vmem>>
      %dma_wait3A_351 = tpu.memref_squeeze %dma_wait3A_350 : memref<1x128xi32, #tpu.memory_space<vmem>> -> memref<128xi32, #tpu.memory_space<vmem>>
      %dma_wait3A_352 = arith.constant 0 : i32
      %dma_wait3A_353 = arith.constant 0 : i32
      %dma_wait3A_354 = tpu.memref_slice %arg2[%dma_wait3A_352, %dma_wait3A_353] : memref<51200x64xf32, #tpu.memory_space<hbm>> -> memref<51200x64xf32, #tpu.memory_space<hbm>>
      tpu.wait_indirect_dma semaphore(%arg7 : memref<!tpu.dma_semaphore, #tpu.memory_space<semaphore_mem>>) src(%dma_wait3A_354 : memref<51200x64xf32, #tpu.memory_space<hbm>>) dst(%dma_wait3A_348 : memref<128x64xf32, #tpu.memory_space<vmem>>)
      %add3A_355 = arith.constant 3 : i32
      %add3A_356 = arith.addi %mul3A_190, %add3A_355 : i32
      %add3A_357 = arith.addi %mul3A_2, %add3A_356 : i32
      %mul3A_358 = arith.constant 128 : i32
      %mul3A_359 = arith.muli %add3A_357, %mul3A_358 : i32
      %dma_start3A_360 = arith.constant 3 : i32
      %dma_start3A_361 = arith.constant 0 : i32
      %dma_start3A_362 = arith.constant 0 : i32
      %dma_start3A_363 = tpu.memref_slice %arg6[%rem3A_188, %dma_start3A_360, %dma_start3A_361, %dma_start3A_362] : memref<2x5x128x64xf32, #tpu.memory_space<vmem>> -> memref<1x1x128x64xf32, #tpu.memory_space<vmem>>
      %dma_start3A_364 = tpu.memref_squeeze %dma_start3A_363 : memref<1x1x128x64xf32, #tpu.memory_space<vmem>> -> memref<128x64xf32, #tpu.memory_space<vmem>>
      %dma_start3A_365 = arith.constant 0 : i32
      %dma_start3A_366 = tpu.memref_slice %arg4[%mul3A_359, %dma_start3A_365] : memref<819200x64xf32, #tpu.memory_space<hbm>> -> memref<128x64xf32, #tpu.memory_space<hbm>>
      %dma_start3A_367 = arith.constant 0 : i32
      %dma_start3A_368 = tpu.memref_slice %arg4[%mul3A_359, %dma_start3A_367] : memref<819200x64xf32, #tpu.memory_space<hbm>> -> memref<128x64xf32, #tpu.memory_space<hbm>>
      %dma_start3A_369 = arith.constant 0 : i32
      %dma_start3A_370 = arith.constant 0 : i32
      %dma_start3A_371 = tpu.memref_slice %arg6[%rem3A_188, %dma_start3A_360, %dma_start3A_369, %dma_start3A_370] : memref<2x5x128x64xf32, #tpu.memory_space<vmem>> -> memref<1x1x128x64xf32, #tpu.memory_space<vmem>>
      %dma_start3A_372 = tpu.memref_squeeze %dma_start3A_371 : memref<1x1x128x64xf32, #tpu.memory_space<vmem>> -> memref<128x64xf32, #tpu.memory_space<vmem>>
      tpu.enqueue_dma source(%dma_start3A_372 : memref<128x64xf32, #tpu.memory_space<vmem>>) target(%dma_start3A_368 : memref<128x64xf32, #tpu.memory_space<hbm>>) target_semaphore(%arg8 : memref<!tpu.dma_semaphore, #tpu.memory_space<semaphore_mem>>)
      %dma_wait3A_373 = arith.constant 4 : i32
      %dma_wait3A_374 = arith.constant 0 : i32
      %dma_wait3A_375 = arith.constant 0 : i32
      %dma_wait3A_376 = tpu.memref_slice %arg6[%rem3A_188, %dma_wait3A_373, %dma_wait3A_374, %dma_wait3A_375] : memref<2x5x128x64xf32, #tpu.memory_space<vmem>> -> memref<1x1x128x64xf32, #tpu.memory_space<vmem>>
      %dma_wait3A_377 = tpu.memref_squeeze %dma_wait3A_376 : memref<1x1x128x64xf32, #tpu.memory_space<vmem>> -> memref<128x64xf32, #tpu.memory_space<vmem>>
      %dma_wait3A_378 = arith.constant 0 : i32
      %dma_wait3A_379 = tpu.memref_slice %arg5[%add3A_245, %dma_wait3A_378] : memref<200x128xi32, #tpu.memory_space<vmem>> -> memref<1x128xi32, #tpu.memory_space<vmem>>
      %dma_wait3A_380 = tpu.memref_squeeze %dma_wait3A_379 : memref<1x128xi32, #tpu.memory_space<vmem>> -> memref<128xi32, #tpu.memory_space<vmem>>
      %dma_wait3A_381 = arith.constant 0 : i32
      %dma_wait3A_382 = arith.constant 0 : i32
      %dma_wait3A_383 = tpu.memref_slice %arg2[%dma_wait3A_381, %dma_wait3A_382] : memref<51200x64xf32, #tpu.memory_space<hbm>> -> memref<51200x64xf32, #tpu.memory_space<hbm>>
      tpu.wait_indirect_dma semaphore(%arg7 : memref<!tpu.dma_semaphore, #tpu.memory_space<semaphore_mem>>) src(%dma_wait3A_383 : memref<51200x64xf32, #tpu.memory_space<hbm>>) dst(%dma_wait3A_377 : memref<128x64xf32, #tpu.memory_space<vmem>>)
      %add3A_384 = arith.constant 4 : i32
      %add3A_385 = arith.addi %mul3A_190, %add3A_384 : i32
      %add3A_386 = arith.addi %mul3A_2, %add3A_385 : i32
      %mul3A_387 = arith.constant 128 : i32
      %mul3A_388 = arith.muli %add3A_386, %mul3A_387 : i32
      %dma_start3A_389 = arith.constant 4 : i32
      %dma_start3A_390 = arith.constant 0 : i32
      %dma_start3A_391 = arith.constant 0 : i32
      %dma_start3A_392 = tpu.memref_slice %arg6[%rem3A_188, %dma_start3A_389, %dma_start3A_390, %dma_start3A_391] : memref<2x5x128x64xf32, #tpu.memory_space<vmem>> -> memref<1x1x128x64xf32, #tpu.memory_space<vmem>>
      %dma_start3A_393 = tpu.memref_squeeze %dma_start3A_392 : memref<1x1x128x64xf32, #tpu.memory_space<vmem>> -> memref<128x64xf32, #tpu.memory_space<vmem>>
      %dma_start3A_394 = arith.constant 0 : i32
      %dma_start3A_395 = tpu.memref_slice %arg4[%mul3A_388, %dma_start3A_394] : memref<819200x64xf32, #tpu.memory_space<hbm>> -> memref<128x64xf32, #tpu.memory_space<hbm>>
      %dma_start3A_396 = arith.constant 0 : i32
      %dma_start3A_397 = tpu.memref_slice %arg4[%mul3A_388, %dma_start3A_396] : memref<819200x64xf32, #tpu.memory_space<hbm>> -> memref<128x64xf32, #tpu.memory_space<hbm>>
      %dma_start3A_398 = arith.constant 0 : i32
      %dma_start3A_399 = arith.constant 0 : i32
      %dma_start3A_400 = tpu.memref_slice %arg6[%rem3A_188, %dma_start3A_389, %dma_start3A_398, %dma_start3A_399] : memref<2x5x128x64xf32, #tpu.memory_space<vmem>> -> memref<1x1x128x64xf32, #tpu.memory_space<vmem>>
      %dma_start3A_401 = tpu.memref_squeeze %dma_start3A_400 : memref<1x1x128x64xf32, #tpu.memory_space<vmem>> -> memref<128x64xf32, #tpu.memory_space<vmem>>
      tpu.enqueue_dma source(%dma_start3A_401 : memref<128x64xf32, #tpu.memory_space<vmem>>) target(%dma_start3A_397 : memref<128x64xf32, #tpu.memory_space<hbm>>) target_semaphore(%arg8 : memref<!tpu.dma_semaphore, #tpu.memory_space<semaphore_mem>>)
    }
    %scan3A_7 = arith.constant 40 : i32
    %add3A_8 = arith.constant 190 : i32
    %add3A_9 = arith.addi %mul3A_2, %add3A_8 : i32
    %mul3A_10 = arith.constant 128 : i32
    %mul3A_11 = arith.muli %add3A_9, %mul3A_10 : i32
    %dma_wait3A = arith.constant 0 : i32
    %dma_wait3A_12 = arith.constant 0 : i32
    %dma_wait3A_13 = arith.constant 0 : i32
    %dma_wait3A_14 = arith.constant 0 : i32
    %dma_wait3A_15 = tpu.memref_slice %arg6[%dma_wait3A, %dma_wait3A_12, %dma_wait3A_13, %dma_wait3A_14] : memref<2x5x128x64xf32, #tpu.memory_space<vmem>> -> memref<1x1x128x64xf32, #tpu.memory_space<vmem>>
    %dma_wait3A_16 = tpu.memref_squeeze %dma_wait3A_15 : memref<1x1x128x64xf32, #tpu.memory_space<vmem>> -> memref<128x64xf32, #tpu.memory_space<vmem>>
    %dma_wait3A_17 = arith.constant 0 : i32
    %dma_wait3A_18 = tpu.memref_slice %arg4[%mul3A_11, %dma_wait3A_17] : memref<819200x64xf32, #tpu.memory_space<hbm>> -> memref<128x64xf32, #tpu.memory_space<hbm>>
    %dma_wait3A_19 = arith.constant 0 : i32
    %dma_wait3A_20 = tpu.memref_slice %arg4[%mul3A_11, %dma_wait3A_19] : memref<819200x64xf32, #tpu.memory_space<hbm>> -> memref<128x64xf32, #tpu.memory_space<hbm>>
    %dma_wait3A_21 = arith.constant 0 : i32
    %dma_wait3A_22 = arith.constant 0 : i32
    %dma_wait3A_23 = tpu.memref_slice %arg6[%dma_wait3A, %dma_wait3A_12, %dma_wait3A_21, %dma_wait3A_22] : memref<2x5x128x64xf32, #tpu.memory_space<vmem>> -> memref<1x1x128x64xf32, #tpu.memory_space<vmem>>
    %dma_wait3A_24 = tpu.memref_squeeze %dma_wait3A_23 : memref<1x1x128x64xf32, #tpu.memory_space<vmem>> -> memref<128x64xf32, #tpu.memory_space<vmem>>
    tpu.wait_dma2 semaphore(%arg8 : memref<!tpu.dma_semaphore, #tpu.memory_space<semaphore_mem>>) src(%dma_wait3A_24 : memref<128x64xf32, #tpu.memory_space<vmem>>) dst(%dma_wait3A_20 : memref<128x64xf32, #tpu.memory_space<hbm>>)
    %add3A_25 = arith.constant 191 : i32
    %add3A_26 = arith.addi %mul3A_2, %add3A_25 : i32
    %mul3A_27 = arith.constant 128 : i32
    %mul3A_28 = arith.muli %add3A_26, %mul3A_27 : i32
    %dma_wait3A_29 = arith.constant 0 : i32
    %dma_wait3A_30 = arith.constant 1 : i32
    %dma_wait3A_31 = arith.constant 0 : i32
    %dma_wait3A_32 = arith.constant 0 : i32
    %dma_wait3A_33 = tpu.memref_slice %arg6[%dma_wait3A_29, %dma_wait3A_30, %dma_wait3A_31, %dma_wait3A_32] : memref<2x5x128x64xf32, #tpu.memory_space<vmem>> -> memref<1x1x128x64xf32, #tpu.memory_space<vmem>>
    %dma_wait3A_34 = tpu.memref_squeeze %dma_wait3A_33 : memref<1x1x128x64xf32, #tpu.memory_space<vmem>> -> memref<128x64xf32, #tpu.memory_space<vmem>>
    %dma_wait3A_35 = arith.constant 0 : i32
    %dma_wait3A_36 = tpu.memref_slice %arg4[%mul3A_28, %dma_wait3A_35] : memref<819200x64xf32, #tpu.memory_space<hbm>> -> memref<128x64xf32, #tpu.memory_space<hbm>>
    %dma_wait3A_37 = arith.constant 0 : i32
    %dma_wait3A_38 = tpu.memref_slice %arg4[%mul3A_28, %dma_wait3A_37] : memref<819200x64xf32, #tpu.memory_space<hbm>> -> memref<128x64xf32, #tpu.memory_space<hbm>>
    %dma_wait3A_39 = arith.constant 0 : i32
    %dma_wait3A_40 = arith.constant 0 : i32
    %dma_wait3A_41 = tpu.memref_slice %arg6[%dma_wait3A_29, %dma_wait3A_30, %dma_wait3A_39, %dma_wait3A_40] : memref<2x5x128x64xf32, #tpu.memory_space<vmem>> -> memref<1x1x128x64xf32, #tpu.memory_space<vmem>>
    %dma_wait3A_42 = tpu.memref_squeeze %dma_wait3A_41 : memref<1x1x128x64xf32, #tpu.memory_space<vmem>> -> memref<128x64xf32, #tpu.memory_space<vmem>>
    tpu.wait_dma2 semaphore(%arg8 : memref<!tpu.dma_semaphore, #tpu.memory_space<semaphore_mem>>) src(%dma_wait3A_42 : memref<128x64xf32, #tpu.memory_space<vmem>>) dst(%dma_wait3A_38 : memref<128x64xf32, #tpu.memory_space<hbm>>)
    %add3A_43 = arith.constant 192 : i32
    %add3A_44 = arith.addi %mul3A_2, %add3A_43 : i32
    %mul3A_45 = arith.constant 128 : i32
    %mul3A_46 = arith.muli %add3A_44, %mul3A_45 : i32
    %dma_wait3A_47 = arith.constant 0 : i32
    %dma_wait3A_48 = arith.constant 2 : i32
    %dma_wait3A_49 = arith.constant 0 : i32
    %dma_wait3A_50 = arith.constant 0 : i32
    %dma_wait3A_51 = tpu.memref_slice %arg6[%dma_wait3A_47, %dma_wait3A_48, %dma_wait3A_49, %dma_wait3A_50] : memref<2x5x128x64xf32, #tpu.memory_space<vmem>> -> memref<1x1x128x64xf32, #tpu.memory_space<vmem>>
    %dma_wait3A_52 = tpu.memref_squeeze %dma_wait3A_51 : memref<1x1x128x64xf32, #tpu.memory_space<vmem>> -> memref<128x64xf32, #tpu.memory_space<vmem>>
    %dma_wait3A_53 = arith.constant 0 : i32
    %dma_wait3A_54 = tpu.memref_slice %arg4[%mul3A_46, %dma_wait3A_53] : memref<819200x64xf32, #tpu.memory_space<hbm>> -> memref<128x64xf32, #tpu.memory_space<hbm>>
    %dma_wait3A_55 = arith.constant 0 : i32
    %dma_wait3A_56 = tpu.memref_slice %arg4[%mul3A_46, %dma_wait3A_55] : memref<819200x64xf32, #tpu.memory_space<hbm>> -> memref<128x64xf32, #tpu.memory_space<hbm>>
    %dma_wait3A_57 = arith.constant 0 : i32
    %dma_wait3A_58 = arith.constant 0 : i32
    %dma_wait3A_59 = tpu.memref_slice %arg6[%dma_wait3A_47, %dma_wait3A_48, %dma_wait3A_57, %dma_wait3A_58] : memref<2x5x128x64xf32, #tpu.memory_space<vmem>> -> memref<1x1x128x64xf32, #tpu.memory_space<vmem>>
    %dma_wait3A_60 = tpu.memref_squeeze %dma_wait3A_59 : memref<1x1x128x64xf32, #tpu.memory_space<vmem>> -> memref<128x64xf32, #tpu.memory_space<vmem>>
    tpu.wait_dma2 semaphore(%arg8 : memref<!tpu.dma_semaphore, #tpu.memory_space<semaphore_mem>>) src(%dma_wait3A_60 : memref<128x64xf32, #tpu.memory_space<vmem>>) dst(%dma_wait3A_56 : memref<128x64xf32, #tpu.memory_space<hbm>>)
    %add3A_61 = arith.constant 193 : i32
    %add3A_62 = arith.addi %mul3A_2, %add3A_61 : i32
    %mul3A_63 = arith.constant 128 : i32
    %mul3A_64 = arith.muli %add3A_62, %mul3A_63 : i32
    %dma_wait3A_65 = arith.constant 0 : i32
    %dma_wait3A_66 = arith.constant 3 : i32
    %dma_wait3A_67 = arith.constant 0 : i32
    %dma_wait3A_68 = arith.constant 0 : i32
    %dma_wait3A_69 = tpu.memref_slice %arg6[%dma_wait3A_65, %dma_wait3A_66, %dma_wait3A_67, %dma_wait3A_68] : memref<2x5x128x64xf32, #tpu.memory_space<vmem>> -> memref<1x1x128x64xf32, #tpu.memory_space<vmem>>
    %dma_wait3A_70 = tpu.memref_squeeze %dma_wait3A_69 : memref<1x1x128x64xf32, #tpu.memory_space<vmem>> -> memref<128x64xf32, #tpu.memory_space<vmem>>
    %dma_wait3A_71 = arith.constant 0 : i32
    %dma_wait3A_72 = tpu.memref_slice %arg4[%mul3A_64, %dma_wait3A_71] : memref<819200x64xf32, #tpu.memory_space<hbm>> -> memref<128x64xf32, #tpu.memory_space<hbm>>
    %dma_wait3A_73 = arith.constant 0 : i32
    %dma_wait3A_74 = tpu.memref_slice %arg4[%mul3A_64, %dma_wait3A_73] : memref<819200x64xf32, #tpu.memory_space<hbm>> -> memref<128x64xf32, #tpu.memory_space<hbm>>
    %dma_wait3A_75 = arith.constant 0 : i32
    %dma_wait3A_76 = arith.constant 0 : i32
    %dma_wait3A_77 = tpu.memref_slice %arg6[%dma_wait3A_65, %dma_wait3A_66, %dma_wait3A_75, %dma_wait3A_76] : memref<2x5x128x64xf32, #tpu.memory_space<vmem>> -> memref<1x1x128x64xf32, #tpu.memory_space<vmem>>
    %dma_wait3A_78 = tpu.memref_squeeze %dma_wait3A_77 : memref<1x1x128x64xf32, #tpu.memory_space<vmem>> -> memref<128x64xf32, #tpu.memory_space<vmem>>
    tpu.wait_dma2 semaphore(%arg8 : memref<!tpu.dma_semaphore, #tpu.memory_space<semaphore_mem>>) src(%dma_wait3A_78 : memref<128x64xf32, #tpu.memory_space<vmem>>) dst(%dma_wait3A_74 : memref<128x64xf32, #tpu.memory_space<hbm>>)
    %add3A_79 = arith.constant 194 : i32
    %add3A_80 = arith.addi %mul3A_2, %add3A_79 : i32
    %mul3A_81 = arith.constant 128 : i32
    %mul3A_82 = arith.muli %add3A_80, %mul3A_81 : i32
    %dma_wait3A_83 = arith.constant 0 : i32
    %dma_wait3A_84 = arith.constant 4 : i32
    %dma_wait3A_85 = arith.constant 0 : i32
    %dma_wait3A_86 = arith.constant 0 : i32
    %dma_wait3A_87 = tpu.memref_slice %arg6[%dma_wait3A_83, %dma_wait3A_84, %dma_wait3A_85, %dma_wait3A_86] : memref<2x5x128x64xf32, #tpu.memory_space<vmem>> -> memref<1x1x128x64xf32, #tpu.memory_space<vmem>>
    %dma_wait3A_88 = tpu.memref_squeeze %dma_wait3A_87 : memref<1x1x128x64xf32, #tpu.memory_space<vmem>> -> memref<128x64xf32, #tpu.memory_space<vmem>>
    %dma_wait3A_89 = arith.constant 0 : i32
    %dma_wait3A_90 = tpu.memref_slice %arg4[%mul3A_82, %dma_wait3A_89] : memref<819200x64xf32, #tpu.memory_space<hbm>> -> memref<128x64xf32, #tpu.memory_space<hbm>>
    %dma_wait3A_91 = arith.constant 0 : i32
    %dma_wait3A_92 = tpu.memref_slice %arg4[%mul3A_82, %dma_wait3A_91] : memref<819200x64xf32, #tpu.memory_space<hbm>> -> memref<128x64xf32, #tpu.memory_space<hbm>>
    %dma_wait3A_93 = arith.constant 0 : i32
    %dma_wait3A_94 = arith.constant 0 : i32
    %dma_wait3A_95 = tpu.memref_slice %arg6[%dma_wait3A_83, %dma_wait3A_84, %dma_wait3A_93, %dma_wait3A_94] : memref<2x5x128x64xf32, #tpu.memory_space<vmem>> -> memref<1x1x128x64xf32, #tpu.memory_space<vmem>>
    %dma_wait3A_96 = tpu.memref_squeeze %dma_wait3A_95 : memref<1x1x128x64xf32, #tpu.memory_space<vmem>> -> memref<128x64xf32, #tpu.memory_space<vmem>>
    tpu.wait_dma2 semaphore(%arg8 : memref<!tpu.dma_semaphore, #tpu.memory_space<semaphore_mem>>) src(%dma_wait3A_96 : memref<128x64xf32, #tpu.memory_space<vmem>>) dst(%dma_wait3A_92 : memref<128x64xf32, #tpu.memory_space<hbm>>)
    %add3A_97 = arith.constant 195 : i32
    %add3A_98 = arith.addi %mul3A_2, %add3A_97 : i32
    %mul3A_99 = arith.constant 128 : i32
    %mul3A_100 = arith.muli %add3A_98, %mul3A_99 : i32
    %dma_wait3A_101 = arith.constant 1 : i32
    %dma_wait3A_102 = arith.constant 0 : i32
    %dma_wait3A_103 = arith.constant 0 : i32
    %dma_wait3A_104 = arith.constant 0 : i32
    %dma_wait3A_105 = tpu.memref_slice %arg6[%dma_wait3A_101, %dma_wait3A_102, %dma_wait3A_103, %dma_wait3A_104] : memref<2x5x128x64xf32, #tpu.memory_space<vmem>> -> memref<1x1x128x64xf32, #tpu.memory_space<vmem>>
    %dma_wait3A_106 = tpu.memref_squeeze %dma_wait3A_105 : memref<1x1x128x64xf32, #tpu.memory_space<vmem>> -> memref<128x64xf32, #tpu.memory_space<vmem>>
    %dma_wait3A_107 = arith.constant 0 : i32
    %dma_wait3A_108 = tpu.memref_slice %arg4[%mul3A_100, %dma_wait3A_107] : memref<819200x64xf32, #tpu.memory_space<hbm>> -> memref<128x64xf32, #tpu.memory_space<hbm>>
    %dma_wait3A_109 = arith.constant 0 : i32
    %dma_wait3A_110 = tpu.memref_slice %arg4[%mul3A_100, %dma_wait3A_109] : memref<819200x64xf32, #tpu.memory_space<hbm>> -> memref<128x64xf32, #tpu.memory_space<hbm>>
    %dma_wait3A_111 = arith.constant 0 : i32
    %dma_wait3A_112 = arith.constant 0 : i32
    %dma_wait3A_113 = tpu.memref_slice %arg6[%dma_wait3A_101, %dma_wait3A_102, %dma_wait3A_111, %dma_wait3A_112] : memref<2x5x128x64xf32, #tpu.memory_space<vmem>> -> memref<1x1x128x64xf32, #tpu.memory_space<vmem>>
    %dma_wait3A_114 = tpu.memref_squeeze %dma_wait3A_113 : memref<1x1x128x64xf32, #tpu.memory_space<vmem>> -> memref<128x64xf32, #tpu.memory_space<vmem>>
    tpu.wait_dma2 semaphore(%arg8 : memref<!tpu.dma_semaphore, #tpu.memory_space<semaphore_mem>>) src(%dma_wait3A_114 : memref<128x64xf32, #tpu.memory_space<vmem>>) dst(%dma_wait3A_110 : memref<128x64xf32, #tpu.memory_space<hbm>>)
    %add3A_115 = arith.constant 196 : i32
    %add3A_116 = arith.addi %mul3A_2, %add3A_115 : i32
    %mul3A_117 = arith.constant 128 : i32
    %mul3A_118 = arith.muli %add3A_116, %mul3A_117 : i32
    %dma_wait3A_119 = arith.constant 1 : i32
    %dma_wait3A_120 = arith.constant 1 : i32
    %dma_wait3A_121 = arith.constant 0 : i32
    %dma_wait3A_122 = arith.constant 0 : i32
    %dma_wait3A_123 = tpu.memref_slice %arg6[%dma_wait3A_119, %dma_wait3A_120, %dma_wait3A_121, %dma_wait3A_122] : memref<2x5x128x64xf32, #tpu.memory_space<vmem>> -> memref<1x1x128x64xf32, #tpu.memory_space<vmem>>
    %dma_wait3A_124 = tpu.memref_squeeze %dma_wait3A_123 : memref<1x1x128x64xf32, #tpu.memory_space<vmem>> -> memref<128x64xf32, #tpu.memory_space<vmem>>
    %dma_wait3A_125 = arith.constant 0 : i32
    %dma_wait3A_126 = tpu.memref_slice %arg4[%mul3A_118, %dma_wait3A_125] : memref<819200x64xf32, #tpu.memory_space<hbm>> -> memref<128x64xf32, #tpu.memory_space<hbm>>
    %dma_wait3A_127 = arith.constant 0 : i32
    %dma_wait3A_128 = tpu.memref_slice %arg4[%mul3A_118, %dma_wait3A_127] : memref<819200x64xf32, #tpu.memory_space<hbm>> -> memref<128x64xf32, #tpu.memory_space<hbm>>
    %dma_wait3A_129 = arith.constant 0 : i32
    %dma_wait3A_130 = arith.constant 0 : i32
    %dma_wait3A_131 = tpu.memref_slice %arg6[%dma_wait3A_119, %dma_wait3A_120, %dma_wait3A_129, %dma_wait3A_130] : memref<2x5x128x64xf32, #tpu.memory_space<vmem>> -> memref<1x1x128x64xf32, #tpu.memory_space<vmem>>
    %dma_wait3A_132 = tpu.memref_squeeze %dma_wait3A_131 : memref<1x1x128x64xf32, #tpu.memory_space<vmem>> -> memref<128x64xf32, #tpu.memory_space<vmem>>
    tpu.wait_dma2 semaphore(%arg8 : memref<!tpu.dma_semaphore, #tpu.memory_space<semaphore_mem>>) src(%dma_wait3A_132 : memref<128x64xf32, #tpu.memory_space<vmem>>) dst(%dma_wait3A_128 : memref<128x64xf32, #tpu.memory_space<hbm>>)
    %add3A_133 = arith.constant 197 : i32
    %add3A_134 = arith.addi %mul3A_2, %add3A_133 : i32
    %mul3A_135 = arith.constant 128 : i32
    %mul3A_136 = arith.muli %add3A_134, %mul3A_135 : i32
    %dma_wait3A_137 = arith.constant 1 : i32
    %dma_wait3A_138 = arith.constant 2 : i32
    %dma_wait3A_139 = arith.constant 0 : i32
    %dma_wait3A_140 = arith.constant 0 : i32
    %dma_wait3A_141 = tpu.memref_slice %arg6[%dma_wait3A_137, %dma_wait3A_138, %dma_wait3A_139, %dma_wait3A_140] : memref<2x5x128x64xf32, #tpu.memory_space<vmem>> -> memref<1x1x128x64xf32, #tpu.memory_space<vmem>>
    %dma_wait3A_142 = tpu.memref_squeeze %dma_wait3A_141 : memref<1x1x128x64xf32, #tpu.memory_space<vmem>> -> memref<128x64xf32, #tpu.memory_space<vmem>>
    %dma_wait3A_143 = arith.constant 0 : i32
    %dma_wait3A_144 = tpu.memref_slice %arg4[%mul3A_136, %dma_wait3A_143] : memref<819200x64xf32, #tpu.memory_space<hbm>> -> memref<128x64xf32, #tpu.memory_space<hbm>>
    %dma_wait3A_145 = arith.constant 0 : i32
    %dma_wait3A_146 = tpu.memref_slice %arg4[%mul3A_136, %dma_wait3A_145] : memref<819200x64xf32, #tpu.memory_space<hbm>> -> memref<128x64xf32, #tpu.memory_space<hbm>>
    %dma_wait3A_147 = arith.constant 0 : i32
    %dma_wait3A_148 = arith.constant 0 : i32
    %dma_wait3A_149 = tpu.memref_slice %arg6[%dma_wait3A_137, %dma_wait3A_138, %dma_wait3A_147, %dma_wait3A_148] : memref<2x5x128x64xf32, #tpu.memory_space<vmem>> -> memref<1x1x128x64xf32, #tpu.memory_space<vmem>>
    %dma_wait3A_150 = tpu.memref_squeeze %dma_wait3A_149 : memref<1x1x128x64xf32, #tpu.memory_space<vmem>> -> memref<128x64xf32, #tpu.memory_space<vmem>>
    tpu.wait_dma2 semaphore(%arg8 : memref<!tpu.dma_semaphore, #tpu.memory_space<semaphore_mem>>) src(%dma_wait3A_150 : memref<128x64xf32, #tpu.memory_space<vmem>>) dst(%dma_wait3A_146 : memref<128x64xf32, #tpu.memory_space<hbm>>)
    %add3A_151 = arith.constant 198 : i32
    %add3A_152 = arith.addi %mul3A_2, %add3A_151 : i32
    %mul3A_153 = arith.constant 128 : i32
    %mul3A_154 = arith.muli %add3A_152, %mul3A_153 : i32
    %dma_wait3A_155 = arith.constant 1 : i32
    %dma_wait3A_156 = arith.constant 3 : i32
    %dma_wait3A_157 = arith.constant 0 : i32
    %dma_wait3A_158 = arith.constant 0 : i32
    %dma_wait3A_159 = tpu.memref_slice %arg6[%dma_wait3A_155, %dma_wait3A_156, %dma_wait3A_157, %dma_wait3A_158] : memref<2x5x128x64xf32, #tpu.memory_space<vmem>> -> memref<1x1x128x64xf32, #tpu.memory_space<vmem>>
    %dma_wait3A_160 = tpu.memref_squeeze %dma_wait3A_159 : memref<1x1x128x64xf32, #tpu.memory_space<vmem>> -> memref<128x64xf32, #tpu.memory_space<vmem>>
    %dma_wait3A_161 = arith.constant 0 : i32
    %dma_wait3A_162 = tpu.memref_slice %arg4[%mul3A_154, %dma_wait3A_161] : memref<819200x64xf32, #tpu.memory_space<hbm>> -> memref<128x64xf32, #tpu.memory_space<hbm>>
    %dma_wait3A_163 = arith.constant 0 : i32
    %dma_wait3A_164 = tpu.memref_slice %arg4[%mul3A_154, %dma_wait3A_163] : memref<819200x64xf32, #tpu.memory_space<hbm>> -> memref<128x64xf32, #tpu.memory_space<hbm>>
    %dma_wait3A_165 = arith.constant 0 : i32
    %dma_wait3A_166 = arith.constant 0 : i32
    %dma_wait3A_167 = tpu.memref_slice %arg6[%dma_wait3A_155, %dma_wait3A_156, %dma_wait3A_165, %dma_wait3A_166] : memref<2x5x128x64xf32, #tpu.memory_space<vmem>> -> memref<1x1x128x64xf32, #tpu.memory_space<vmem>>
    %dma_wait3A_168 = tpu.memref_squeeze %dma_wait3A_167 : memref<1x1x128x64xf32, #tpu.memory_space<vmem>> -> memref<128x64xf32, #tpu.memory_space<vmem>>
    tpu.wait_dma2 semaphore(%arg8 : memref<!tpu.dma_semaphore, #tpu.memory_space<semaphore_mem>>) src(%dma_wait3A_168 : memref<128x64xf32, #tpu.memory_space<vmem>>) dst(%dma_wait3A_164 : memref<128x64xf32, #tpu.memory_space<hbm>>)
    %add3A_169 = arith.constant 199 : i32
    %add3A_170 = arith.addi %mul3A_2, %add3A_169 : i32
    %mul3A_171 = arith.constant 128 : i32
    %mul3A_172 = arith.muli %add3A_170, %mul3A_171 : i32
    %dma_wait3A_173 = arith.constant 1 : i32
    %dma_wait3A_174 = arith.constant 4 : i32
    %dma_wait3A_175 = arith.constant 0 : i32
    %dma_wait3A_176 = arith.constant 0 : i32
    %dma_wait3A_177 = tpu.memref_slice %arg6[%dma_wait3A_173, %dma_wait3A_174, %dma_wait3A_175, %dma_wait3A_176] : memref<2x5x128x64xf32, #tpu.memory_space<vmem>> -> memref<1x1x128x64xf32, #tpu.memory_space<vmem>>
    %dma_wait3A_178 = tpu.memref_squeeze %dma_wait3A_177 : memref<1x1x128x64xf32, #tpu.memory_space<vmem>> -> memref<128x64xf32, #tpu.memory_space<vmem>>
    %dma_wait3A_179 = arith.constant 0 : i32
    %dma_wait3A_180 = tpu.memref_slice %arg4[%mul3A_172, %dma_wait3A_179] : memref<819200x64xf32, #tpu.memory_space<hbm>> -> memref<128x64xf32, #tpu.memory_space<hbm>>
    %dma_wait3A_181 = arith.constant 0 : i32
    %dma_wait3A_182 = tpu.memref_slice %arg4[%mul3A_172, %dma_wait3A_181] : memref<819200x64xf32, #tpu.memory_space<hbm>> -> memref<128x64xf32, #tpu.memory_space<hbm>>
    %dma_wait3A_183 = arith.constant 0 : i32
    %dma_wait3A_184 = arith.constant 0 : i32
    %dma_wait3A_185 = tpu.memref_slice %arg6[%dma_wait3A_173, %dma_wait3A_174, %dma_wait3A_183, %dma_wait3A_184] : memref<2x5x128x64xf32, #tpu.memory_space<vmem>> -> memref<1x1x128x64xf32, #tpu.memory_space<vmem>>
    %dma_wait3A_186 = tpu.memref_squeeze %dma_wait3A_185 : memref<1x1x128x64xf32, #tpu.memory_space<vmem>> -> memref<128x64xf32, #tpu.memory_space<vmem>>
    tpu.wait_dma2 semaphore(%arg8 : memref<!tpu.dma_semaphore, #tpu.memory_space<semaphore_mem>>) src(%dma_wait3A_186 : memref<128x64xf32, #tpu.memory_space<vmem>>) dst(%dma_wait3A_182 : memref<128x64xf32, #tpu.memory_space<hbm>>)
    return
  }
}

module attributes {stable_mosaic.version = 14 : i64} {
  func.func @_prep_body(%arg0: i32, %arg1: memref<8x64xf32, #tpu.memory_space<vmem>>, %arg2: memref<256x64xf32, #tpu.memory_space<vmem>>, %arg3: memref<256x128xi32, #tpu.memory_space<vmem>>, %arg4: memref<2048x64xf32, #tpu.memory_space<vmem>>, %arg5: memref<256x128xi32, #tpu.memory_space<vmem>>) attributes {dimension_semantics = [#tpu.dimension_semantics<arbitrary>], iteration_bounds = array<i64: 25>, scalar_prefetch = 0 : i64, scratch_operands = 0 : i64, tpu.core_type = #tpu.core_type<tc>, window_params = [{transform_indices = @transform_0, window_bounds = array<i64: 8, 64>}, {pipeline_mode = #tpu.pipeline_mode<synchronous>, transform_indices = @transform_1, window_bounds = array<i64: 256, 64>}, {transform_indices = @transform_2, window_bounds = array<i64: 256, 128>}, {transform_indices = @transform_3, window_bounds = array<i64: 2048, 64>}, {transform_indices = @transform_4, window_bounds = array<i64: 256, 128>}]} {
    %get3A = arith.constant 0 : index
    %get3A_0 = arith.constant 0 : index
    %get3A_1 = vector.load %arg1[%get3A, %get3A_0] : memref<8x64xf32, #tpu.memory_space<vmem>>, vector<8x64xf32>
    %broadcast_in_dim3A = vector.shape_cast %get3A_1 : vector<8x64xf32> to vector<8x1x64xf32>
    %get3A_2 = arith.constant 0 : index
    %get3A_3 = arith.constant 0 : index
    %get3A_4 = vector.load %arg2[%get3A_2, %get3A_3] : memref<256x64xf32, #tpu.memory_space<vmem>>, vector<256x64xf32>
    %broadcast_in_dim3A_5 = vector.shape_cast %get3A_4 : vector<256x64xf32> to vector<1x256x64xf32>
    %add3A = vector.broadcast %broadcast_in_dim3A : vector<8x1x64xf32> to vector<8x256x64xf32>
    %add3A_6 = vector.broadcast %broadcast_in_dim3A_5 : vector<1x256x64xf32> to vector<8x256x64xf32>
    %add3A_7 = arith.addf %add3A, %add3A_6 : vector<8x256x64xf32>
    %reshape3A = vector.shape_cast %add3A_7 : vector<8x256x64xf32> to vector<2048x64xf32>
    %swap3A = arith.constant 0 : index
    %swap3A_8 = arith.constant 0 : index
    %swap3A_9 = vector.load %arg4[%swap3A, %swap3A_8] : memref<2048x64xf32, #tpu.memory_space<vmem>>, vector<2048x64xf32>
    tpu.vector_store %arg4[%swap3A, %swap3A_8], %reshape3A {strides = array<i32>} : memref<2048x64xf32, #tpu.memory_space<vmem>>, vector<2048x64xf32>,
    %iota3A = tpu.iota {dimensions = array<i32: 0>} : vector<256x128xi32>
    %iota3A_10 = tpu.iota {dimensions = array<i32: 1>} : vector<256x128xi32>
    %mul3A = arith.constant 256 : i32
    %mul3A_11 = arith.muli %arg0, %mul3A : i32
    %add3A_12 = vector.broadcast %mul3A_11 : i32 to vector<256x128xi32>
    %add3A_13 = arith.addi %add3A_12, %iota3A : vector<256x128xi32>
    %mul3A_14 = arith.constant 128 : i32
    %mul3A_15 = vector.broadcast %mul3A_14 : i32 to vector<256x128xi32>
    %mul3A_16 = arith.muli %add3A_13, %mul3A_15 : vector<256x128xi32>
    %add3A_17 = arith.addi %mul3A_16, %iota3A_10 : vector<256x128xi32>
    %rem3A = arith.constant 200 : i32
    %rem3A_18 = vector.broadcast %rem3A : i32 to vector<256x128xi32>
    %rem3A_19 = arith.remsi %add3A_17, %rem3A_18 : vector<256x128xi32>
    %get3A_20 = arith.constant 0 : index
    %get3A_21 = arith.constant 0 : index
    %get3A_22 = vector.load %arg3[%get3A_20, %get3A_21] : memref<256x128xi32, #tpu.memory_space<vmem>>, vector<256x128xi32>
    %mul3A_23 = arith.constant 256 : i32
    %mul3A_24 = vector.broadcast %mul3A_23 : i32 to vector<256x128xi32>
    %mul3A_25 = arith.muli %rem3A_19, %mul3A_24 : vector<256x128xi32>
    %add3A_26 = arith.addi %get3A_22, %mul3A_25 : vector<256x128xi32>
    %swap3A_27 = arith.constant 0 : index
    %swap3A_28 = arith.constant 0 : index
    %swap3A_29 = vector.load %arg5[%swap3A_27, %swap3A_28] : memref<256x128xi32, #tpu.memory_space<vmem>>, vector<256x128xi32>
    tpu.vector_store %arg5[%swap3A_27, %swap3A_28], %add3A_26 {strides = array<i32>} : memref<256x128xi32, #tpu.memory_space<vmem>>, vector<256x128xi32>,
    return
  }
  func.func @transform_0(%arg0: i32) -> (i32, i32) {
    %c0_i32 = arith.constant 0 : i32
    %c0_i32_0 = arith.constant 0 : i32
    return %arg0, %c0_i32 : i32, i32
  }
  func.func @transform_1(%arg0: i32) -> (i32, i32) {
    %c0_i32 = arith.constant 0 : i32
    %c0_i32_0 = arith.constant 0 : i32
    %c0_i32_1 = arith.constant 0 : i32
    return %c0_i32, %c0_i32_0 : i32, i32
  }
  func.func @transform_2(%arg0: i32) -> (i32, i32) {
    %c0_i32 = arith.constant 0 : i32
    %c0_i32_0 = arith.constant 0 : i32
    return %arg0, %c0_i32 : i32, i32
  }
  func.func @transform_3(%arg0: i32) -> (i32, i32) {
    %c0_i32 = arith.constant 0 : i32
    %c0_i32_0 = arith.constant 0 : i32
    return %arg0, %c0_i32 : i32, i32
  }
  func.func @transform_4(%arg0: i32) -> (i32, i32) {
    %c0_i32 = arith.constant 0 : i32
    %c0_i32_0 = arith.constant 0 : i32
    return %arg0, %c0_i32 : i32, i32
  }
}

</mosaic_0001>

<sc_bundles>
// kernel: kernel.4.cloned.1.call-start
scs
__scs_entry_jumppad:
0x0: {  	(pc) =	sbr.rel $0x88, $3  }
0x1: {  	(tag) =	ssettag $0x0;
	lr =	simm.s32 $0x1  }
0x2: {  	[smem:$0x3F9E] =	sst lr;
	_ =	strace $0xD0000000  }
0x3: {  	_ = 	snop  }
0x4: {  	_ = 	snop  }
0x5: {  	_ = 	snop  }
0x6: {  	_ = 	snop  }
0x7: {  	_ = 	snop  }
__scs_overlays_trampoline_lowered:
0x8: {  	[smem:$0x3FAD] =	sst s0  }
0x9: {  	[smem:$0x3FAE] =	sst s1  }
0xa: {  	[smem:$0x3FAF] =	sst s2  }
0xb: {  	[smem:$0x3FB0] =	sst s3  }
0xc: {  	[smem:$0x3FB1] =	sst s4  }
0xd: {  	[smem:$0x3FB2] =	sst s5  }
0xe: {  	[smem:$0x3FB3] =	sst s6  }
0xf: {  	[smem:$0x3FB4] =	sst s7  }
0x10: {  	[smem:$0x3FB5] =	sst s8  }
0x11: {  	[smem:$0x3FB6] =	sst s9;
	s0 =	simm.s32 @!p0 $0x0  }
0x12: {  	s1 =	sld [smem:$0x3F9C];
	s0 =	simm.s32 @p0 $0x1  }
0x13: {  	[smem:$0x3FB7] =	sst s0;
	s0 =	simm.s32 @!p1 $0x0  }
0x14: {  	s2 =	sld [smem:$0x3F9B];
	s0 =	simm.s32 @p1 $0x1  }
0x15: {  	[smem:$0x3FB8] =	sst s0;
	s0 =	simm.s32 @!p2 $0x0  }
0x16: {  	s3 =	sld [smem:$0x3FDB];
	s0 =	simm.s32 @p2 $0x1  }
0x17: {  	s4 =	simm.s32 $0x1BF5;
	[smem:$0x3FBA] =	sst s0  }
0x18: {  	s0 =	sld [smem:$0x3F9D];
	_ =	swait.ge [sflag:s4], $0x0  }
0x19: {  	s7 =	sld [smem:$0x3F9E]  }
0x1a: {  	s8 =	sadd.s32 $0xFFFFE003, lr  }
0x1b: {  	s9 =	sadd.s32 $0xFFFFFEF7, lr;
	s5 =	simm.s32 $0xFFFFFFFF;
	p2 =	slt.u32 s8, $0xFFFFF086  }
0x1c: {  	p1 =	slt.u32 s9, $0xF7A;
	s5 =	simm.s32 @!p2 $0x0  }
0x1d: {  	s5 =	simm.s32 @p1 $0x1;
	p0 =	seq.s32 s7, s2  }
0x1e: {  	s7 =	smul.u32 @!p0 $0xF7A, s2;
	p2 =	seq.s32 @!p0 s5, $0x0  }
0x1f: {  	s9 =	smul.u32 $0xF7A, s1;
	s8 =	simm.s32 @!p0 $0x1BF5;
	p2 =	por !p2, p0  }
0x20: {  	[sflag:s8] =	ssyncset.s32 @!p0 $0xFFFFF086;
	s6 =	sadd.s32 @!p0 s3, s7;
	s7 =	simm.s32 @!p0 $0x108  }
0x21: {  	s3 =	sadd.s32 s3, s9;
	s6 =	sadd.s32 @!p0 $0x88, s6;
	s7 =	simm.s32 @p2 $0x1082  }
0x22: {  	[simem:s7], [sflag:s8] =	dma.local @!p0 [hbm:s6], $0xF7A  }
0x23: {  	s9 =	sor.u32 $0xD0000000, s2;
	s6 =	simm.s32 $0x108;
	_ =	swait.ge @!p0 [sflag:s8], $0x0  }
0x24: {  	s3 =	sadd.s32 $0x88, s3;
	s6 =	simm.s32 @!p1 $0x1082;
	[sflag:s4] =	ssyncset.s32 $0xFFFFF086  }
0x25: {  	[simem:s6], [sflag:s4] =	dma.local [hbm:s3], $0xF7A  }
0x26: {  	[smem:$0x3F9E] =	sst s1;
	(tag) =	ssettag s2;
	_ =	strace s9  }
0x27: {  	s1 =	sld [smem:$0x3FAE]  }
0x28: {  	s2 =	sld [smem:$0x3FAF]  }
0x29: {  	s4 =	sld [smem:$0x3FB1]  }
0x2a: {  	p0 =	seq.s32 s5, $0x0;
	s5 =	sld [smem:$0x3FB2]  }
0x2b: {  	s6 =	sld [smem:$0x3FB3]  }
0x2c: {  	s7 =	sld [smem:$0x3FB4]  }
0x2d: {  	s3 =	simm.s32 $0x108;
	s8 =	sld [smem:$0x3FB5]  }
0x2e: {  	s3 =	simm.s32 @!p0 $0x1082;
	s9 =	sld [smem:$0x3FB6]  }
0x2f: {  	lr =	sadd.s32 s0, s3;
	s0 =	sld [smem:$0x3FAD]  }
0x30: {  	s3 =	sld [smem:$0x3FB0]  }
0x31: {  	[smem:$0x3FB9] =	sst s10  }
0x32: {  	s10 =	sld [smem:$0x3FB7];
	_ =	sdelay $0x3  }
0x33: {  	p0 =	seq.s32 s10, $0x1;
	s10 =	sld [smem:$0x3FB9];
	_ =	sdelay $0x3  }
0x34: {  	[smem:$0x3FB9] =	sst s10  }
0x35: {  	s10 =	sld [smem:$0x3FB8];
	_ =	sdelay $0x3  }
0x36: {  	p1 =	seq.s32 s10, $0x1;
	s10 =	sld [smem:$0x3FB9];
	_ =	sdelay $0x3  }
0x37: {  	[smem:$0x3FB9] =	sst s10  }
0x38: {  	s10 =	sld [smem:$0x3FBA]  }
0x39: {  	_ = 	snop;
	(pc) =	sbr.ind lr, $3  }
0x3a: {  	_ = 	snop  }
0x3b: {  	_ = 	snop  }
0x3c: {  	p2 =	seq.s32 s10, $0x1;
	s10 =	sld [smem:$0x3FB9]  }
0x3d: {  	_ =	shalt  }
0x3e: {  	_ =	shalt  }
0x3f: {  	_ =	shalt  }
0x40: {  	_ =	shalt  }
0x41: {  	_ =	shalt  }
0x42: {  	_ =	shalt  }
0x43: {  	_ =	shalt  }
0x44: {  	_ =	shalt  }
0x45: {  	_ =	shalt  }
0x46: {  	_ =	shalt  }
0x47: {  	_ =	shalt  }
0x48: {  	_ =	shalt  }
0x49: {  	_ =	shalt  }
0x4a: {  	_ =	shalt  }
0x4b: {  	_ =	shalt  }
0x4c: {  	_ =	shalt  }
0x4d: {  	_ =	shalt  }
0x4e: {  	_ =	shalt  }
0x4f: {  	_ =	shalt  }
0x50: {  	_ =	shalt  }
0x51: {  	_ =	shalt  }
0x52: {  	_ =	shalt  }
0x53: {  	_ =	shalt  }
0x54: {  	_ =	shalt  }
0x55: {  	_ =	shalt  }
0x56: {  	_ =	shalt  }
0x57: {  	_ =	shalt  }
0x58: {  	_ =	shalt  }
0x59: {  	_ =	shalt  }
0x5a: {  	_ =	shalt  }
0x5b: {  	_ =	shalt  }
0x5c: {  	_ =	shalt  }
0x5d: {  	_ =	shalt  }
0x5e: {  	_ =	shalt  }
0x5f: {  	_ =	shalt  }
0x60: {  	_ =	shalt  }
0x61: {  	_ =	shalt  }
0x62: {  	_ =	shalt  }
0x63: {  	_ =	shalt  }
0x64: {  	_ =	shalt  }
0x65: {  	_ =	shalt  }
0x66: {  	_ =	shalt  }
0x67: {  	_ =	shalt  }
0x68: {  	_ =	shalt  }
0x69: {  	_ =	shalt  }
0x6a: {  	_ =	shalt  }
0x6b: {  	_ =	shalt  }
0x6c: {  	_ =	shalt  }
0x6d: {  	_ =	shalt  }
0x6e: {  	_ =	shalt  }
0x6f: {  	_ =	shalt  }
0x70: {  	_ =	shalt  }
0x71: {  	_ =	shalt  }
0x72: {  	_ =	shalt  }
0x73: {  	_ =	shalt  }
0x74: {  	_ =	shalt  }
0x75: {  	_ =	shalt  }
0x76: {  	_ =	shalt  }
0x77: {  	_ =	shalt  }
0x78: {  	_ =	shalt  }
0x79: {  	_ =	shalt  }
0x7a: {  	_ =	shalt  }
0x7b: {  	_ =	shalt  }
0x7c: {  	_ =	shalt  }
0x7d: {  	_ =	shalt  }
0x7e: {  	_ =	shalt  }
0x7f: {  	_ =	shalt  }
0x80: {  	_ =	shalt  }
0x81: {  	_ =	shalt  }
0x82: {  	_ =	shalt  }
0x83: {  	_ =	shalt  }
0x84: {  	_ =	shalt  }
0x85: {  	_ =	shalt  }
0x86: {  	_ =	shalt  }
0x87: {  	_ =	shalt  }
.Lfunc_end0:
.L_simem_size_0:
called_computation.1_lowered:
.L_overlay_start_0:
0x88: {  	s2 =	sld [smem:$0x3FD9]  }
0x89: {  	s3 =	sld [smem:$0x3FFE];
	_ =	sdelay $0x1  }
0x8a: {  	s1 =	srdreg.scid  }
0x8b: {  	s0 =	sand.u32 $0x1, s1  }
0x8c: {  	s17 =	sshll.u32 s0, $0xA;
	s2 =	sadd.s32 s3, s2  }
0x8d: {  	s2 =	sadd.s32 s2, s17  }
0x8e: {  	[smem:$0x3FC5] =	sst s2  }
0x8f: {  	_ = 	snop  }
0x90: {  	s2 =	sld [smem:$0x3FD0];
	(tm) =	ssettm $0x1  }
0x91: {  	s18 =	sld [smem:$0x3FFB];
	_ =	sdelay $0x3  }
0x92: {  	_ =	strace s18  }
0x93: {  	s3 =	sld [smem:$0x3FFC];
	_ =	sdelay $0x3  }
0x94: {  	_ =	strace s3  }
0x95: {  	s3 =	sld [smem:$0x3FFD];
	_ =	sdelay $0x3  }
0x96: {  	_ =	strace s3  }
0x97: {  	_ =	strace $0x8FFFFFFF  }
0x98: {  	s19 =	sld [smem:$0x3FDB];
	_ =	sdelay $0x1  }
0x99: {  	s4 =	simm.s32 $_scs_section_size  }
0x9a: {  	s5 =	simm.s32 $_size__tile_overlayer_lowered;
	s6 =	simm.s32 $_tile_overlayer_lowered  }
0x9b: {  	s22 =	simm.s32 $0x1BFF;
	s21 =	sshll.u32 s6, $0x1;
	s3 =	sadd.s32 s4, s19  }
0x9c: {  	s7 =	simm.s32 $0x0;
	s20 =	sshll.u32 s5, $0x1;
	s5 =	sadd.s32 s21, s3  }
0x9d: {  	[timem:s7], [sflag:s22] =	dma.local [hbm:s5], s20  }
0x9e: {  	_ =	swait.ge [sflag:s22], s20  }
0x9f: {  	s4 =	ssub.s32 $0x0, s20;
	[sflag:s22] =	ssyncset.done $0x0  }
0xa0: {  	[sflag:s22] =	ssyncadd.s32 s4;
	_ =	sdelay $0x1  }
0xa1: {  	s23 =	simm.s32 $0x1B8B  }
0xa2: {  	_ =	swait.ge [sflag:s23], $0x1  }
0xa3: {  	[sflag:s23] =	ssyncset.done $0x0  }
0xa4: {  	s25 =	simm.s32 $0x1B8E;
	s24 =	sld [smem:$0x3FFE];
	[sflag:s23] =	ssyncadd.s32 $0xFFFFFFFF  }
0xa5: {  	s26 =	simm.s32 $execute0_lowered;
	[smem:$0x3FD2] =	sst s25  }
0xa6: {  	s5 =	sshll.u32 s26, $0x1;
	_ =	strace $0x80000046;
	[dreg:$0x1] =	wrdreg $0xFFFFFFFF  }
0xa7: {  	s28 =	simm.s32 $_size_execute0_lowered;
	s3 =	sadd.s32 s3, s5;
	[dreg:$0x0] =	wrdreg $0x0  }
0xa8: {  	s5 =	sshll.u32 s28, $0x1;
	[dreg:$0x2] =	wrdreg s3  }
0xa9: {  	[dreg:$0x3] =	wrdreg s5  }
0xaa: {  	[dreg:$0x4] =	wrdreg $0xC0  }
0xab: {  	_ =	task [dreg:s7], $0x5FFFF  }
0xac: {  	[dreg:$0x1] =	wrdreg $0xFFFFFFFF  }
0xad: {  	[dreg:$0x0] =	wrdreg $0x60  }
0xae: {  	[dreg:$0x2] =	wrdreg s24  }
0xaf: {  	[dreg:$0x3] =	wrdreg s2  }
0xb0: {  	[dreg:$0x4] =	wrdreg $0x9  }
0xb1: {  	_ =	task.clear_ibuf [dreg:s7], $0x5FFFF;
	_ =	strace $0x90000046  }
0xb2: {  	s29 =	simm.s32 $0x9;
	_ =	strace $0x80000048  }
0xb3: {  	_ =	swait.ge [sflag:s29], $0x1  }
0xb4: {  	[sflag:s29] =	ssyncadd.s32 $0xFFFFFFFF  }
0xb5: {  	_ =	strace $0x90000048  }
0xb6: {  	_ =	sfence  }
0xb7: {  	s30 =	sld [smem:$0x0];
	_ =	sdelay $0x2  }
0xb8: {  	s31 =	sshll.u32 s1, $0xD;
	s1 =	sshrl.u32 s1, $0x2  }
0xb9: {  	s3 =	sand.u32 $0x4000, s31;
	s1 =	sadd.s32 s1, s30  }
0xba: {  	s0 =	sor.u32 s3, s0;
	s1 =	sshll.u32 s1, $0x11  }
0xbb: {  	s0 =	sor.u32 s1, s0  }
0xbc: {  	s0 =	sadd.s32 $0x8F2B, s0  }
0xbd: {  	[sflag:s0] =	ssyncadd.remote.s32 $0x1  }
0xbe: {  	_ =	sfence.sel $0xFFFF  }
0xbf: {  	[dreg:$0x0] =	wrdreg $0xFFFFFFFF;
	(pc) =	sbr.abs _section_cstart, $3  }
0xc0: {  	[dreg:$0x1] =	wrdreg $0xFFFFFFFF  }
0xc1: {  	_ =	task.clear_ibuf [dreg:s7], $0x2FFFF;
	_ =	strace $0x9FFFFFFF  }
0xc2: {  	(tm) =	ssettm $0x7FFFFFFF  }
0xc3: {  	_ =	shalt  }
tec
execute0_lowered:
.L_overlay_start_1:
0x0: {  	(tag) =	ssettag $0x1  }
0x1: {  	s1 =	srdreg.scid;
	s5 =	rddreg [dreg:$0x0]  }
0x2: {  	s0 =	stileid.u32;
	s2 =	rddreg [dreg:$0x1]  }
0x3: {  	s3 =	simm.s32 $0x0;
	s13 =	simm.s32 $0x0;
	s7 =	smul.u32 $0x64000, s0  }
0x4: {  	s4 =	sand.u32 $0x1, s1;
	s30 =	sshll.u32 s0, $0x1;
	s10 =	smul.u32 $0x190, s0  }
0x5: {  	[smem:$0x7FF] =	sst s3;
	s1 =	sor.u32 s4, s30;
	s8 =	smul.u32 $0x32000, s4  }
0x6: {  	s9 =	ssub.s32 $0x2, s4;
	s12 =	smul.u32 $0xC8, s4;
	s4 =	sadd.s32 $0x19C00, s5  }
0x7: {  	s6 =	smul.u32 $0xC80, s1;
	s1 =	rddreg [dreg:$0x2];
	s11 =	sshrl.u32 s9, $0x1  }
0x8: {  	_ =	strace $0x80000047;
	s9 =	ssub.s32 s9, s11;
	s7 =	sadd.s32 s8, s7  }
0x9: {  	s31 =	sadd.s32 s12, s10;
	s10 =	simm.s32 $0x80;
	s11 =	simm.s32 $0x1  }
0xa: {  	s12 =	simm.s32 $0x2;
	s6 =	sadd.s32 s6, s5;
	s8 =	sshll.u32 s31, $0xA  }
0xb: {  	s5 =	sadd.s32 $0xC00, s6;
	s6 =	smax.u32 s9, $0x1;
	s9 =	simm.s32 $0x3  }
.LBB2_1:
0xc: {  	[tilespmem:s3], [sflag:$0x3] =	stream.linear.gather [hbm4b:s5+s3], $0x6400, $0x38;
	[tilespmem:$0x1A400] =	vst v63  }
0xd: {  	_ =	swait.ge [sflag:s9], $0x6400  }
0xe: {  	p0 =	por $0x1, $0x1;
	[sflag:s9] =	ssyncset.done $0x0  }
0xf: {  	s14 =	simm.s32 @!p0 $0x2;
	[sflag:s9] =	ssyncadd.s32 $0xFFFF9C00  }
0x10: {  	_ =	swait.ge @!p0 [sflag:s14], $0x2000  }
0x11: {  	[sflag:s14] =	ssyncset.done @!p0 $0x0  }
0x12: {  	[sflag:s14] =	ssyncadd.s32 @!p0 $0xFFFFE000  }
0x13: {  	_ =	swait.ge @!p0 [sflag:s14], $0x2000  }
0x14: {  	[sflag:s14] =	ssyncset.done @!p0 $0x0  }
0x15: {  	[sflag:s14] =	ssyncadd.s32 @!p0 $0xFFFFE000  }
0x16: {  	_ =	swait.ge @!p0 [sflag:s14], $0x2000  }
0x17: {  	[sflag:s14] =	ssyncset.done @!p0 $0x0  }
0x18: {  	[sflag:s14] =	ssyncadd.s32 @!p0 $0xFFFFE000  }
0x19: {  	_ =	swait.ge @!p0 [sflag:s14], $0x2000  }
0x1a: {  	[sflag:s14] =	ssyncset.done @!p0 $0x0  }
0x1b: {  	s15 =	sand.u32 $0x1, s3;
	[sflag:s14] =	ssyncadd.s32 @!p0 $0xFFFFE000  }
0x1c: {  	p1 =	seq.s32 s15, $0x1;
	s15 =	simm.s32 $0xA000;
	_ =	swait.ge @!p0 [sflag:s14], $0x2000  }
0x1d: {  	s15 =	simm.s32 @!p1 $0x0;
	[sflag:s14] =	ssyncset.done @!p0 $0x0  }
0x1e: {  	s16 =	simm.s32 $0x0;
	s22 =	sadd.s32 $0x6400, s15;
	[sflag:s14] =	ssyncadd.s32 @!p0 $0xFFFFE000  }
0x1f: {  	[tilespmem:s22], [sflag:$0x1] =	stream.indirect.gather [hbm4b:s4+s10], $0x40, s16, s10, $0xb8;
	[tilespmem:$0x1A400] =	vst v63  }
0x20: {  	s17 =	simm.s32 $0x80;
	s23 =	sadd.s32 $0x8400, s15  }
0x21: {  	[tilespmem:s23], [sflag:$0x1] =	stream.indirect.gather [hbm4b:s4+s10], $0x40, s17, s10, $0xb8;
	[tilespmem:$0x1A400] =	vst v63  }
0x22: {  	s18 =	simm.s32 $0x100;
	s24 =	sadd.s32 $0xA400, s15  }
0x23: {  	[tilespmem:s24], [sflag:$0x1] =	stream.indirect.gather [hbm4b:s4+s10], $0x40, s18, s10, $0xb8;
	[tilespmem:$0x1A400] =	vst v63  }
0x24: {  	s25 =	simm.s32 $0x180;
	s19 =	sadd.s32 $0xC400, s15  }
0x25: {  	[tilespmem:s19], [sflag:$0x1] =	stream.indirect.gather [hbm4b:s4+s10], $0x40, s25, s10, $0xb8;
	[tilespmem:$0x1A400] =	vst v63  }
0x26: {  	s26 =	simm.s32 $0x200;
	s18 =	sadd.s32 $0xE400, s15  }
0x27: {  	[tilespmem:s18], [sflag:$0x1] =	stream.indirect.gather [hbm4b:s4+s10], $0x40, s26, s10, $0xb8;
	[tilespmem:$0x1A400] =	vst v63  }
0x28: {  	_ =	swait.ge [sflag:s11], $0x2000  }
0x29: {  	[sflag:s11] =	ssyncset.done $0x0  }
0x2a: {  	s28 =	sadd.s32 s2, s7;
	[sflag:s11] =	ssyncadd.s32 $0xFFFFE000  }
0x2b: {  	[hbm4b:s28+s3] =	stream.linear.scatter [tilespmem:s22], [sflag:$0x2], $0x2000, $0x38;
	[tilespmem:$0x1A400] =	vst v63  }
0x2c: {  	_ =	swait.ge [sflag:s11], $0x2000  }
0x2d: {  	s20 =	sadd.s32 s2, s8;
	[sflag:s11] =	ssyncset.done $0x0  }
0x2e: {  	s29 =	sadd.s32 $0x400, s20;
	[sflag:s11] =	ssyncadd.s32 $0xFFFFE000  }
0x2f: {  	[hbm4b:s29+s3] =	stream.linear.scatter [tilespmem:s23], [sflag:$0x2], $0x2000, $0x38;
	[tilespmem:$0x1A400] =	vst v63  }
0x30: {  	_ =	swait.ge [sflag:s11], $0x2000  }
0x31: {  	[sflag:s11] =	ssyncset.done $0x0  }
0x32: {  	s30 =	sadd.s32 $0x800, s20;
	[sflag:s11] =	ssyncadd.s32 $0xFFFFE000  }
0x33: {  	[hbm4b:s30+s3] =	stream.linear.scatter [tilespmem:s24], [sflag:$0x2], $0x2000, $0x38;
	[tilespmem:$0x1A400] =	vst v63  }
0x34: {  	_ =	swait.ge [sflag:s11], $0x2000  }
0x35: {  	s31 =	sadd.s32 $0xC00, s20;
	[sflag:s11] =	ssyncset.done $0x0  }
0x36: {  	p1 =	por $0x1, $0x1;
	s14 =	sadd.s32 $0x1400, s2;
	[sflag:s11] =	ssyncadd.s32 $0xFFFFE000  }
0x37: {  	[hbm4b:s31+s3] =	stream.linear.scatter [tilespmem:s19], [sflag:$0x2], $0x2000, $0x38;
	[tilespmem:$0x1A400] =	vst v63  }
0x38: {  	s16 =	simm.s32 $0x1;
	s17 =	simm.s32 $0x1400;
	_ =	swait.ge [sflag:s11], $0x2000  }
0x39: {  	s15 =	simm.s32 $0xA00;
	s19 =	sadd.s32 $0x1000, s20;
	[sflag:s11] =	ssyncset.done $0x0  }
.LBB2_2:
0x3a: {  	s20 =	simm.s32 @!p1 $0x2  }
0x3b: {  	[sflag:s11] =	ssyncadd.s32 $0xFFFFE000;
	s21 =	smov.u32 s17;
	s17 =	sadd.s32 $0xA00, s17  }
0x3c: {  	[hbm4b:s19+s3] =	stream.linear.scatter [tilespmem:s18], [sflag:$0x2], $0x2000, $0x38;
	[tilespmem:$0x1A400] =	vst v63  }
0x3d: {  	p0 =	sne.s32 s17, $0x19000;
	_ =	swait.ge @!p1 [sflag:s20], $0x2000  }
0x3e: {  	[sflag:s20] =	ssyncset.done @!p1 $0x0  }
0x3f: {  	[sflag:s20] =	ssyncadd.s32 @!p1 $0xFFFFE000  }
0x40: {  	_ =	swait.ge @!p1 [sflag:s20], $0x2000  }
0x41: {  	[sflag:s20] =	ssyncset.done @!p1 $0x0  }
0x42: {  	[sflag:s20] =	ssyncadd.s32 @!p1 $0xFFFFE000  }
0x43: {  	_ =	swait.ge @!p1 [sflag:s20], $0x2000  }
0x44: {  	[sflag:s20] =	ssyncset.done @!p1 $0x0  }
0x45: {  	[sflag:s20] =	ssyncadd.s32 @!p1 $0xFFFFE000  }
0x46: {  	_ =	swait.ge @!p1 [sflag:s20], $0x2000  }
0x47: {  	[sflag:s20] =	ssyncset.done @!p1 $0x0  }
0x48: {  	s18 =	sand.u32 $0x1, s16;
	[sflag:s20] =	ssyncadd.s32 @!p1 $0xFFFFE000  }
0x49: {  	p2 =	seq.s32 s18, $0x1;
	s18 =	simm.s32 $0xA000;
	_ =	swait.ge @!p1 [sflag:s20], $0x2000  }
0x4a: {  	s18 =	simm.s32 @!p2 $0x0;
	[sflag:s20] =	ssyncset.done @!p1 $0x0  }
0x4b: {  	s19 =	sadd.s32 $0x6400, s18;
	[sflag:s20] =	ssyncadd.s32 @!p1 $0xFFFFE000;
	s20 =	sshra.s32 s15, $0x2  }
0x4c: {  	[tilespmem:s19], [sflag:$0x1] =	stream.indirect.gather [hbm4b:s4+s10], $0x40, s20, s10, $0xb8;
	[tilespmem:$0x1A400] =	vst v63  }
0x4d: {  	s22 =	sadd.s32 $0x8400, s18;
	s15 =	smov.u32 s21;
	s23 =	sadd.s32 $0x80, s20  }
0x4e: {  	[tilespmem:s22], [sflag:$0x1] =	stream.indirect.gather [hbm4b:s4+s10], $0x40, s23, s10, $0xb8;
	[tilespmem:$0x1A400] =	vst v63  }
0x4f: {  	s21 =	sadd.s32 $0xA400, s18;
	s23 =	sadd.s32 $0x100, s20  }
0x50: {  	[tilespmem:s21], [sflag:$0x1] =	stream.indirect.gather [hbm4b:s4+s10], $0x40, s23, s10, $0xb8;
	[tilespmem:$0x1A400] =	vst v63  }
0x51: {  	s24 =	sadd.s32 $0x180, s20;
	s23 =	sadd.s32 $0xC400, s18  }
0x52: {  	[tilespmem:s23], [sflag:$0x1] =	stream.indirect.gather [hbm4b:s4+s10], $0x40, s24, s10, $0xb8;
	[tilespmem:$0x1A400] =	vst v63  }
0x53: {  	s20 =	sadd.s32 $0x200, s20;
	s18 =	sadd.s32 $0xE400, s18  }
0x54: {  	[tilespmem:s18], [sflag:$0x1] =	stream.indirect.gather [hbm4b:s4+s10], $0x40, s20, s10, $0xb8;
	[tilespmem:$0x1A400] =	vst v63  }
0x55: {  	_ =	swait.ge [sflag:s11], $0x2000  }
0x56: {  	[sflag:s11] =	ssyncset.done $0x0  }
0x57: {  	s20 =	sadd.s32 s14, s7;
	[sflag:s11] =	ssyncadd.s32 $0xFFFFE000  }
0x58: {  	[hbm4b:s20+s3] =	stream.linear.scatter [tilespmem:s19], [sflag:$0x2], $0x2000, $0x38;
	[tilespmem:$0x1A400] =	vst v63  }
0x59: {  	_ =	swait.ge [sflag:s11], $0x2000  }
0x5a: {  	s19 =	sadd.s32 s14, s8;
	[sflag:s11] =	ssyncset.done $0x0  }
0x5b: {  	s20 =	sadd.s32 $0x400, s19;
	[sflag:s11] =	ssyncadd.s32 $0xFFFFE000  }
0x5c: {  	[hbm4b:s20+s3] =	stream.linear.scatter [tilespmem:s22], [sflag:$0x2], $0x2000, $0x38;
	[tilespmem:$0x1A400] =	vst v63  }
0x5d: {  	_ =	swait.ge [sflag:s11], $0x2000  }
0x5e: {  	[sflag:s11] =	ssyncset.done $0x0  }
0x5f: {  	s20 =	sadd.s32 $0x800, s19;
	[sflag:s11] =	ssyncadd.s32 $0xFFFFE000  }
0x60: {  	[hbm4b:s20+s3] =	stream.linear.scatter [tilespmem:s21], [sflag:$0x2], $0x2000, $0x38;
	[tilespmem:$0x1A400] =	vst v63  }
0x61: {  	_ =	swait.ge [sflag:s11], $0x2000  }
.Ltmp0:
0x62: {  	[sflag:s11] =	ssyncset.done $0x0;
	(pc) =	sbr.rel @p0 .LBB2_2-.Ltmp0, $4  }
0x63: {  	s20 =	sadd.s32 $0xC00, s19;
	[sflag:s11] =	ssyncadd.s32 $0xFFFFE000  }
0x64: {  	[hbm4b:s20+s3] =	stream.linear.scatter [tilespmem:s23], [sflag:$0x2], $0x2000, $0x38;
	[tilespmem:$0x1A400] =	vst v63  }
0x65: {  	s16 =	sadd.s32 $0x1, s16;
	s14 =	sadd.s32 $0x1400, s14;
	_ =	swait.ge [sflag:s11], $0x2000  }
0x66: {  	p1 =	slt.u32 s16, $0x2;
	s19 =	sadd.s32 $0x1000, s19;
	[sflag:s11] =	ssyncset.done $0x0  }
0x67: {  	s17 =	simm.s32 @!p1 $0x2;
	[sflag:s11] =	ssyncadd.s32 $0xFFFFE000  }
0x68: {  	[hbm4b:s19+s3] =	stream.linear.scatter [tilespmem:s18], [sflag:$0x2], $0x2000, $0x38;
	[tilespmem:$0x1A400] =	vst v63  }
0x69: {  	_ =	swait.ge @!p1 [sflag:s17], $0x2000  }
0x6a: {  	[sflag:s17] =	ssyncset.done @!p1 $0x0  }
0x6b: {  	[sflag:s17] =	ssyncadd.s32 @!p1 $0xFFFFE000  }
0x6c: {  	_ =	swait.ge @!p1 [sflag:s17], $0x2000  }
0x6d: {  	[sflag:s17] =	ssyncset.done @!p1 $0x0  }
0x6e: {  	[sflag:s17] =	ssyncadd.s32 @!p1 $0xFFFFE000  }
0x6f: {  	_ =	swait.ge @!p1 [sflag:s17], $0x2000  }
0x70: {  	[sflag:s17] =	ssyncset.done @!p1 $0x0  }
0x71: {  	[sflag:s17] =	ssyncadd.s32 @!p1 $0xFFFFE000  }
0x72: {  	_ =	swait.ge @!p1 [sflag:s17], $0x2000  }
0x73: {  	[sflag:s17] =	ssyncset.done @!p1 $0x0  }
0x74: {  	s16 =	sand.u32 $0x1, s16;
	[sflag:s17] =	ssyncadd.s32 @!p1 $0xFFFFE000  }
0x75: {  	p0 =	seq.s32 s16, $0x1;
	s16 =	simm.s32 $0xA000;
	_ =	swait.ge @!p1 [sflag:s17], $0x2000  }
0x76: {  	s16 =	simm.s32 @!p0 $0x0;
	[sflag:s17] =	ssyncset.done @!p1 $0x0  }
0x77: {  	s15 =	sshra.s32 s15, $0x2;
	s18 =	sadd.s32 $0x6400, s16;
	[sflag:s17] =	ssyncadd.s32 @!p1 $0xFFFFE000  }
0x78: {  	[tilespmem:s18], [sflag:$0x1] =	stream.indirect.gather [hbm4b:s4+s10], $0x40, s15, s10, $0xb8;
	[tilespmem:$0x1A400] =	vst v63  }
0x79: {  	s23 =	sadd.s32 $0x80, s15;
	s22 =	sadd.s32 $0x8400, s16  }
0x7a: {  	[tilespmem:s22], [sflag:$0x1] =	stream.indirect.gather [hbm4b:s4+s10], $0x40, s23, s10, $0xb8;
	[tilespmem:$0x1A400] =	vst v63  }
0x7b: {  	s20 =	sadd.s32 $0x100, s15;
	s24 =	sadd.s32 $0xA400, s16  }
0x7c: {  	[tilespmem:s24], [sflag:$0x1] =	stream.indirect.gather [hbm4b:s4+s10], $0x40, s20, s10, $0xb8;
	[tilespmem:$0x1A400] =	vst v63  }
0x7d: {  	s21 =	sadd.s32 $0x180, s15;
	s25 =	sadd.s32 $0xC400, s16  }
0x7e: {  	[tilespmem:s25], [sflag:$0x1] =	stream.indirect.gather [hbm4b:s4+s10], $0x40, s21, s10, $0xb8;
	[tilespmem:$0x1A400] =	vst v63  }
0x7f: {  	s16 =	sadd.s32 $0xE400, s16;
	s15 =	sadd.s32 $0x200, s15  }
0x80: {  	[tilespmem:s16], [sflag:$0x1] =	stream.indirect.gather [hbm4b:s4+s10], $0x40, s15, s10, $0xb8;
	[tilespmem:$0x1A400] =	vst v63  }
0x81: {  	_ =	swait.ge [sflag:s11], $0x2000  }
0x82: {  	[sflag:s11] =	ssyncset.done $0x0  }
0x83: {  	s26 =	sadd.s32 s14, s7;
	[sflag:s11] =	ssyncadd.s32 $0xFFFFE000  }
0x84: {  	[hbm4b:s26+s3] =	stream.linear.scatter [tilespmem:s18], [sflag:$0x2], $0x2000, $0x38;
	[tilespmem:$0x1A400] =	vst v63  }
0x85: {  	_ =	swait.ge [sflag:s11], $0x2000  }
0x86: {  	s28 =	sadd.s32 s14, s8;
	[sflag:s11] =	ssyncset.done $0x0  }
0x87: {  	s29 =	sadd.s32 $0x400, s28;
	[sflag:s11] =	ssyncadd.s32 $0xFFFFE000  }
0x88: {  	[hbm4b:s29+s3] =	stream.linear.scatter [tilespmem:s22], [sflag:$0x2], $0x2000, $0x38;
	[tilespmem:$0x1A400] =	vst v63  }
0x89: {  	_ =	swait.ge [sflag:s11], $0x2000  }
0x8a: {  	[sflag:s11] =	ssyncset.done $0x0  }
0x8b: {  	s30 =	sadd.s32 $0x800, s28;
	[sflag:s11] =	ssyncadd.s32 $0xFFFFE000  }
0x8c: {  	[hbm4b:s30+s3] =	stream.linear.scatter [tilespmem:s24], [sflag:$0x2], $0x2000, $0x38;
	[tilespmem:$0x1A400] =	vst v63  }
0x8d: {  	_ =	swait.ge [sflag:s11], $0x2000  }
0x8e: {  	[sflag:s11] =	ssyncset.done $0x0  }
0x8f: {  	s31 =	sadd.s32 $0xC00, s28;
	[sflag:s11] =	ssyncadd.s32 $0xFFFFE000  }
0x90: {  	[hbm4b:s31+s3] =	stream.linear.scatter [tilespmem:s25], [sflag:$0x2], $0x2000, $0x38;
	[tilespmem:$0x1A400] =	vst v63  }
0x91: {  	_ =	swait.ge [sflag:s11], $0x2000  }
0x92: {  	[sflag:s11] =	ssyncset.done $0x0  }
0x93: {  	s14 =	sadd.s32 $0x1000, s28;
	[sflag:s11] =	ssyncadd.s32 $0xFFFFE000  }
0x94: {  	[hbm4b:s14+s3] =	stream.linear.scatter [tilespmem:s16], [sflag:$0x2], $0x2000, $0x38;
	[tilespmem:$0x1A400] =	vst v63  }
0x95: {  	_ =	swait.ge [sflag:s12], $0x2000  }
0x96: {  	[sflag:s12] =	ssyncset.done $0x0  }
0x97: {  	[sflag:s12] =	ssyncadd.s32 $0xFFFFE000  }
0x98: {  	_ =	swait.ge [sflag:s12], $0x2000  }
0x99: {  	[sflag:s12] =	ssyncset.done $0x0  }
0x9a: {  	[sflag:s12] =	ssyncadd.s32 $0xFFFFE000  }
0x9b: {  	_ =	swait.ge [sflag:s12], $0x2000  }
0x9c: {  	[sflag:s12] =	ssyncset.done $0x0  }
0x9d: {  	[sflag:s12] =	ssyncadd.s32 $0xFFFFE000  }
0x9e: {  	_ =	swait.ge [sflag:s12], $0x2000  }
0x9f: {  	[sflag:s12] =	ssyncset.done $0x0  }
0xa0: {  	[sflag:s12] =	ssyncadd.s32 $0xFFFFE000  }
0xa1: {  	_ =	swait.ge [sflag:s12], $0x2000  }
0xa2: {  	[sflag:s12] =	ssyncset.done $0x0  }
0xa3: {  	[sflag:s12] =	ssyncadd.s32 $0xFFFFE000  }
0xa4: {  	_ =	swait.ge [sflag:s12], $0x2000  }
0xa5: {  	[sflag:s12] =	ssyncset.done $0x0  }
0xa6: {  	[sflag:s12] =	ssyncadd.s32 $0xFFFFE000  }
0xa7: {  	_ =	swait.ge [sflag:s12], $0x2000  }
0xa8: {  	[sflag:s12] =	ssyncset.done $0x0  }
0xa9: {  	[sflag:s12] =	ssyncadd.s32 $0xFFFFE000  }
0xaa: {  	_ =	swait.ge [sflag:s12], $0x2000  }
0xab: {  	[sflag:s12] =	ssyncset.done $0x0  }
0xac: {  	s13 =	sadd.s32 $0x1, s13;
	[sflag:s12] =	ssyncadd.s32 $0xFFFFE000  }
0xad: {  	p0 =	sne.s32 s13, s6;
	_ =	swait.ge [sflag:s12], $0x2000  }
.Ltmp1:
0xae: {  	[sflag:s12] =	ssyncset.done $0x0;
	(pc) =	sbr.rel @p0 .LBB2_1-.Ltmp1, $4  }
0xaf: {  	[sflag:s12] =	ssyncadd.s32 $0xFFFFE000  }
0xb0: {  	_ =	swait.ge [sflag:s12], $0x2000  }
0xb1: {  	[sflag:s12] =	ssyncset.done $0x0  }
0xb2: {  	[sflag:s12] =	ssyncadd.s32 $0xFFFFE000  }
0xb3: {  	_ =	sfence.sel $0x180000  }
0xb4: {  	[bflag:$0x0] =	sbarrier.arrive $0xFFFF  }
0xb5: {  	p0 =	sne.s32 s0, $0x0;
	_ =	strace $0x90000047  }
0xb6: {  	s0 =	sadd.s32 @!p0 $0x100000, s1;
	[bflag:$0x2] =	sbarrier.arrive $0xFFFF  }
0xb7: {  	[sflag:s0] =	ssyncadd.tile.s32 @!p0 $0x1;
	_ =	shalt  }
.Lfunc_end2:
_tile_overlayer_lowered:
.L_overlay_start_2:
0xb8: {  	(tag) =	ssettag $0x2  }
0xb9: {  	s0 =	rddreg [dreg:$0x0];
	s2 =	stileid.u32  }
0xba: {  	s1 =	rddreg [dreg:$0x1];
	p0 =	sne.s32 s2, $0x0  }
0xbb: {  	s3 =	rddreg [dreg:$0x2];
	[bflag:$0x3] =	sbarrier.arrive $0xFFFF;
	s2 =	simm.s32 @!p0 $0x1C03  }
0xbc: {  	[timem:s3], [sflag:s2] =	dma.local @!p0 [hbm:s0], s1  }
0xbd: {  	s0 =	simm.s32 @!p0 $0x3  }
0xbe: {  	_ =	swait.ge @!p0 [sflag:s0], s1  }
0xbf: {  	s1 =	ssub.s32 @!p0 $0x0, s1;
	[sflag:s0] =	ssyncset.done @!p0 $0x0  }
0xc0: {  	[sflag:s0] =	ssyncadd.s32 @!p0 s1  }
0xc1: {  	[bflag:$0x3] =	sbarrier.arrive $0xFFFF  }
0xc2: {  	_ =	shalt  }

// kernel: sparse-core-data-format-call.cloned.1.call-start
scs
called_computation_lowered:
.L_overlay_start_0:
0x0: {  	s2 =	sld [smem:$0x3FD9]  }
0x1: {  	s3 =	sld [smem:$0x3FFE];
	_ =	sdelay $0x1  }
0x2: {  	s1 =	srdreg.scid  }
0x3: {  	s0 =	sand.u32 $0x1, s1  }
0x4: {  	s18 =	sshll.u32 s0, $0xA;
	s2 =	sadd.s32 s3, s2  }
0x5: {  	s2 =	sadd.s32 s2, s18  }
0x6: {  	[smem:$0x3FC5] =	sst s2  }
0x7: {  	_ = 	snop  }
0x8: {  	s2 =	sld [smem:$0x3FD0];
	(tm) =	ssettm $0x1  }
0x9: {  	s19 =	sld [smem:$0x3FFB];
	_ =	sdelay $0x3  }
0xa: {  	_ =	strace s19  }
0xb: {  	s3 =	sld [smem:$0x3FFC];
	_ =	sdelay $0x3  }
0xc: {  	_ =	strace s3  }
0xd: {  	s3 =	sld [smem:$0x3FFD];
	_ =	sdelay $0x3  }
0xe: {  	_ =	strace s3  }
0xf: {  	_ =	strace $0x8FFFFFFF  }
0x10: {  	s20 =	sld [smem:$0x3FDB];
	_ =	sdelay $0x1  }
0x11: {  	s4 =	simm.s32 $_scs_section_size  }
0x12: {  	s5 =	simm.s32 $_size__tile_overlayer_lowered;
	s6 =	simm.s32 $_tile_overlayer_lowered  }
0x13: {  	s23 =	simm.s32 $0x1BFF;
	s22 =	sshll.u32 s6, $0x1;
	s3 =	sadd.s32 s4, s20  }
0x14: {  	s7 =	simm.s32 $0x0;
	s21 =	sshll.u32 s5, $0x1;
	s5 =	sadd.s32 s22, s3  }
0x15: {  	[timem:s7], [sflag:s23] =	dma.local [hbm:s5], s21  }
0x16: {  	_ =	swait.ge [sflag:s23], s21  }
0x17: {  	s4 =	ssub.s32 $0x0, s21;
	[sflag:s23] =	ssyncset.done $0x0  }
0x18: {  	[sflag:s23] =	ssyncadd.s32 s4;
	_ =	sdelay $0x1  }
0x19: {  	s24 =	simm.s32 $0x1B8B  }
0x1a: {  	_ =	swait.ge [sflag:s24], $0x1  }
0x1b: {  	[sflag:s24] =	ssyncset.done $0x0  }
0x1c: {  	s26 =	simm.s32 $0x1B8E;
	s25 =	sld [smem:$0x3FFE];
	[sflag:s24] =	ssyncadd.s32 $0xFFFFFFFF  }
0x1d: {  	s27 =	simm.s32 $execute0_lowered;
	[smem:$0x3FD2] =	sst s26  }
0x1e: {  	s5 =	sshll.u32 s27, $0x1;
	_ =	strace $0x80000049;
	[dreg:$0x1] =	wrdreg $0xFFFFFFFF  }
0x1f: {  	s28 =	simm.s32 $_size_execute0_lowered;
	s3 =	sadd.s32 s3, s5;
	[dreg:$0x0] =	wrdreg $0x0  }
0x20: {  	s5 =	sshll.u32 s28, $0x1;
	[dreg:$0x2] =	wrdreg s3  }
0x21: {  	[dreg:$0x3] =	wrdreg s5  }
0x22: {  	[dreg:$0x4] =	wrdreg $0xC0  }
0x23: {  	_ =	task [dreg:s7], $0x5FFFF  }
0x24: {  	[dreg:$0x1] =	wrdreg $0xFFFFFFFF  }
0x25: {  	[dreg:$0x0] =	wrdreg $0x60  }
0x26: {  	[dreg:$0x2] =	wrdreg s25  }
0x27: {  	[dreg:$0x3] =	wrdreg s2  }
0x28: {  	[dreg:$0x4] =	wrdreg $0x9  }
0x29: {  	_ =	task.clear_ibuf [dreg:s7], $0x5FFFF;
	_ =	strace $0x90000049  }
0x2a: {  	s29 =	simm.s32 $0x9;
	_ =	strace $0x8000004B  }
0x2b: {  	_ =	swait.ge [sflag:s29], $0x1  }
0x2c: {  	[sflag:s29] =	ssyncadd.s32 $0xFFFFFFFF  }
0x2d: {  	_ =	strace $0x9000004B  }
0x2e: {  	_ =	sfence  }
0x2f: {  	s30 =	sld [smem:$0x0];
	_ =	sdelay $0x2  }
0x30: {  	s31 =	sshll.u32 s1, $0xD;
	s1 =	sshrl.u32 s1, $0x2  }
0x31: {  	s3 =	sand.u32 $0x4000, s31;
	s1 =	sadd.s32 s1, s30  }
0x32: {  	s0 =	sor.u32 s3, s0;
	s1 =	sshll.u32 s1, $0x11  }
0x33: {  	s0 =	sor.u32 s1, s0  }
0x34: {  	s0 =	sadd.s32 $0x8F2B, s0  }
0x35: {  	[sflag:s0] =	ssyncadd.remote.s32 $0x1  }
0x36: {  	_ =	sfence.sel $0xFFFF  }
0x37: {  	[dreg:$0x0] =	wrdreg $0xFFFFFFFF;
	(pc) =	sbr.abs _section_cstart, $3  }
0x38: {  	[dreg:$0x1] =	wrdreg $0xFFFFFFFF  }
0x39: {  	_ =	task.clear_ibuf [dreg:s7], $0x2FFFF;
	_ =	strace $0x9FFFFFFF  }
0x3a: {  	(tm) =	ssettm $0x7FFFFFFF  }
0x3b: {  	_ =	shalt  }
tec
execute0_lowered:
.L_overlay_start_1:
0x0: {  	(tag) =	ssettag $0x1  }
0x1: {  	s0 =	srdreg.scid  }
0x2: {  	s1 =	sshll.u32 s0, $0x4  }
0x3: {  	s0 =	stileid.u32;
	s1 =	sand.u32 $0x10, s1  }
0x4: {  	s1 =	sor.u32 s0, s1  }
0x5: {  	s6 =	rddreg [dreg:$0x0];
	s4 =	simm.s32 $0x1;
	s2 =	sshll.u32 s1, $0x7  }
0x6: {  	s7 =	simm.s32 $0x2;
	s12 =	simm.s32 $0x0;
	s1 =	ssub.s32 $0x1000, s2  }
0x7: {  	s8 =	simm.s32 $0x8000;
	s13 =	simm.s32 $0x0;
	s3 =	sand.u32 $0xF80, s1  }
0x8: {  	s9 =	simm.s32 $0x0;
	s5 =	sshrl.u32 s1, $0xC;
	p0 =	sne.s32 s3, $0x0  }
.Ltmp0:
0x9: {  	s1 =	rddreg [dreg:$0x2];
	s4 =	simm.s32 @!p0 $0x0;
	(pc) =	sbr.rel .LBB1_1-.Ltmp0, $4  }
0xa: {  	s11 =	simm.s32 $0x0;
	s3 =	rddreg [dreg:$0x1];
	s5 =	sadd.s32 s4, s5  }
0xb: {  	_ =	strace $0x8000004A;
	s4 =	simm.s32 $0x1;
	s5 =	smul.u32 $0xC8, s5  }
0xc: {  	s6 =	sadd.s32 $0xC00, s6;
	s10 =	smov.u32 s2;
	[sflag:s4] =	ssyncpa.u1 $0x0  }
0xd: {  	p0 =	por $0x0, $0x0;
	[sflag:s7] =	ssyncpa.u1 $0x0;
	s7 =	sor.u32 $0x1, s5  }
.LBB1_4:
0xe: {  	s16 =	sshll.u32 s13, $0x3;
	s17 =	sand.u32 $0x78, s13  }
0xf: {  	s30 =	sand.u32 $0x7E00, s13;
	s12 =	sshll.u32 s12, $0xF;
	s16 =	sand.u32 $0xC00, s16  }
0x10: {  	[tilespmem:s15+$0x810 ss:$0x81] =	vst.msk $0xffff, v2;
	s31 =	sand.u32 $0x7, s13;
	s16 =	sor.u32 s17, s16;
	s17 =	sadd.s32 s3, s30  }
0x11: {  	[tilespmem:s15+$0x1020 ss:$0x81] =	vst.msk $0xffff, v0;
	s13 =	sshll.u32 s31, $0x12;
	s12 =	sadd.s32 s12, s17;
	s16 =	sshrl.u32 s16, $0x3  }
0x12: {  	[tilespmem:s15+$0x0 ss:$0x81] =	vst.msk $0xffff, v1;
	s13 =	sor.u32 $0x400, s13;
	s12 =	sadd.s32 s16, s12  }
0x13: {  	[hbm4b:s12+s13] =	stream.strided.scatter [tilespmem:s14], [sflag:$0x2], $0x2000, s8, s13, $0x20;
	[tilespmem:$0x8080] =	vst v63  }
.LBB1_5:
0x14: {  	s14 =	sadd.s32 $0x1, s9  }
0x15: {  	s12 =	sadd.s32 $0x1000, s10;
	s16 =	smov.u32 s10;
	p2 =	sgt.s32 s14, $0xC7  }
0x16: {  	s16 =	smov.u32 @p2 s12  }
0x17: {  	s14 =	simm.s32 @p2 $0x0;
	p2 =	sgt.s32 s16, $0xFFF  }
0x18: {  	s16 =	smov.u32 @p2 s2;
	p2 =	sne.s32 s11, s7  }
.Ltmp1:
0x19: {  	p1 =	slt.u32 s11, $0x2;
	(pc) =	sbr.rel @!p2 .LBB1_6-.Ltmp1, $4  }
0x1a: {  	s15 =	simm.s32 @!p1 $0x2  }
0x1b: {  	s13 =	smov.u32 s10;
	p0 =	por !p0, !p0;
	_ =	swait.ge @!p1 [sflag:s15], $0x2000  }
0x1c: {  	s12 =	smov.u32 s9;
	[sflag:s15] =	ssyncset.done @!p1 $0x0;
	s9 =	smov.u32 s14  }
0x1d: {  	s11 =	sadd.s32 $0x1, s11;
	[sflag:s15] =	ssyncadd.s32 @!p1 $0xFFFFE000;
	s10 =	smov.u32 s16  }
.LBB1_1:
0x1e: {  	p1 =	sge.u32 s11, s5  }
0x1f: {  	s14 =	sand.u32 @!p1 $0x1FFFFFF, s9  }
0x20: {  	s15 =	smulhi.u32 @!p1 $0x147AE15, s14;
	_ =	sdelay $0x1  }
0x21: {  	s15 =	smul.u32 @!p1 $0xC8, s15  }
0x22: {  	s16 =	sxor.u32 @!p1 $0xFFFFFFFF, s11;
	s17 =	smul.u32 @!p1 $0xC80, s10  }
0x23: {  	s31 =	sadd.s32 $0xFFFFFFFF, s11;
	s16 =	sshll.u32 @!p1 s16, $0xD;
	s14 =	ssub.s32 @!p1 s14, s15  }
0x24: {  	s15 =	sand.u32 @!p1 $0x2000, s16;
	s16 =	sadd.s32 @!p1 s6, s17;
	s14 =	sshll.u32 @!p1 s14, $0x4  }
0x25: {  	s17 =	simm.s32 @!p1 $0x6400;
	s14 =	sadd.s32 @!p1 s14, s16;
	s16 =	simm.s32 @!p1 $0x40  }
0x26: {  	[tilespmem:s15], [sflag:$0x1] =	stream.strided.gather @!p1 [hbm4b:s14+s16], $0x2000, s17, s16, $0x38;
	[tilespmem:$0x8080] =	vst v63  }
0x27: {  	p1 =	sge.u32 s31, s5  }
.Ltmp2:
0x28: {  	_ = 	snop;
	(pc) =	sbr.rel @p1 .LBB1_5-.Ltmp2, $1  }
0x29: {  	_ =	sdelay $0x3  }
0x2a: {  	s14 =	simm.s32 $0x1  }
0x2b: {  	_ =	swait.ge [sflag:s4], $0x2000;
	s14 =	simm.s32 @!p0 $0x0  }
0x2c: {  	[sflag:s4] =	ssyncset.done $0x0;
	s15 =	sshll.u32 s14, $0xD  }
0x2d: {  	[sflag:s4] =	ssyncadd.s32 $0xFFFFE000;
	s18 =	sor.u32 $0x20, s15  }
0x2e: {  	s14 =	smul.u32 $0x8100, s14;
	v3 =	vld [tilespmem:s18+$0x10]  }
0x2f: {  	s30 =	sand.u32 $0x1, s11;
	v2 =	vld [tilespmem:s18+$0xFFFFFFF0]  }
0x30: {  	s15 =	smul.u32 $0x8100, s30;
	s14 =	sshrl.u32 s14, $0x2;
	v0 =	vld [tilespmem:s18+$0x0]  }
0x31: {  	v1 =	vld [tilespmem:s18+$0xFFFFFFE0];
	s16 =	sor.u32 $0x4000, s14  }
0x32: {  	s31 =	sshrl.u32 s15, $0x2;
	s15 =	sadd.s32 $0x0, s16  }
0x33: {  	s17 =	simm.s32 $0x4;
	s18 =	sadd.s32 $0x40, s18;
	s14 =	sor.u32 $0x4000, s31;
	[tilespmem:s15+$0x1830 ss:$0x81] =	vst.msk $0xffff, v3  }
.LBB1_3:
0x34: {  	v3 =	vld [tilespmem:s18+$0x10];
	p1 =	sne.s32 s17, $0x1FC;
	[tilespmem:s15+$0x810 ss:$0x81] =	vst.msk $0xffff, v2;
	s19 =	smov.u32 s17;
	s17 =	sadd.s32 $0x4, s17  }
.Ltmp3:
0x35: {  	v2 =	vld [tilespmem:s18+$0xFFFFFFF0];
	[tilespmem:s15+$0x1020 ss:$0x81] =	vst.msk $0xffff, v0;
	(pc) =	sbr.rel @p1 .LBB1_3-.Ltmp3, $4  }
0x36: {  	v0 =	vld [tilespmem:s18+$0x0];
	[tilespmem:s15+$0x0 ss:$0x81] =	vst.msk $0xffff, v1  }
0x37: {  	s15 =	sshra.s32 s19, $0x2;
	v1 =	vld [tilespmem:s18+$0xFFFFFFE0]  }
0x38: {  	s15 =	sadd.s32 s15, s16  }
0x39: {  	s18 =	sadd.s32 $0x40, s18;
	[tilespmem:s15+$0x1830 ss:$0x81] =	vst.msk $0xffff, v3  }
.Ltmp4:
0x3a: {  	_ = 	snop;
	(pc) =	sbr.rel .LBB1_4-.Ltmp4, $1  }
0x3b: {  	_ =	sdelay $0x3  }
.LBB1_6:
0x3c: {  	_ =	sfence.sel $0x180000  }
0x3d: {  	s2 =	simm.s32 $0x1;
	[bflag:$0x0] =	sbarrier.arrive $0xFFFF  }
0x3e: {  	s31 =	simm.s32 $0x2;
	[sflag:s2] =	ssyncpa.u1 $0x1  }
0x3f: {  	[sflag:s31] =	ssyncpa.u1 $0x1  }
0x40: {  	p0 =	sne.s32 s0, $0x0;
	_ =	strace $0x9000004A  }
0x41: {  	s0 =	sadd.s32 @!p0 $0x100000, s1;
	[bflag:$0x2] =	sbarrier.arrive $0xFFFF  }
0x42: {  	[sflag:s0] =	ssyncadd.tile.s32 @!p0 $0x1;
	_ =	shalt  }
.Lfunc_end1:
_tile_overlayer_lowered:
.L_overlay_start_2:
0x43: {  	(tag) =	ssettag $0x2  }
0x44: {  	s0 =	rddreg [dreg:$0x0];
	s2 =	stileid.u32  }
0x45: {  	s1 =	rddreg [dreg:$0x1];
	p0 =	sne.s32 s2, $0x0  }
0x46: {  	s3 =	rddreg [dreg:$0x2];
	[bflag:$0x3] =	sbarrier.arrive $0xFFFF;
	s2 =	simm.s32 @!p0 $0x1C01  }
0x47: {  	[timem:s3], [sflag:s2] =	dma.local @!p0 [hbm:s0], s1  }
0x48: {  	s0 =	simm.s32 @!p0 $0x1  }
0x49: {  	_ =	swait.ge @!p0 [sflag:s0], s1  }
0x4a: {  	s1 =	ssub.s32 @!p0 $0x0, s1;
	[sflag:s0] =	ssyncset.done @!p0 $0x0  }
0x4b: {  	[sflag:s0] =	ssyncadd.s32 @!p0 s1  }
0x4c: {  	[bflag:$0x3] =	sbarrier.arrive $0xFFFF  }
0x4d: {  	_ =	shalt  }

</sc_bundles>
